<compile_context>
chip_gen: v7x
topology: tpu7x:2x2x1
jax: 0.10.2.dev20260603
libtpu: 0.0.44.dev20260713+nightly
codegen_flags: <defaults>
</compile_context>

<pallas_src>
import functools

import jax
import jax.numpy as jnp
from jax import lax
from jax.experimental import pallas as pl
from jax.experimental.pallas import tpu as pltpu
from jax.experimental.pallas import tpu_sc as plsc

NC = 2
NS = 16
NW = NC * NS
CHUNK = 128
F = 16
PACK = 128 // F


def _mesh():
    return plsc.VectorSubcoreMesh(core_axis_name="c", subcore_axis_name="s")


_SC_PARAMS = pltpu.CompilerParams(use_tc_tiling_on_sc=False)


def _make_deg_kernel(n_pad: int, chunks_total: int):
    per_w = chunks_total // NW
    rows_per_tile = n_pad // NS
    depth = 8

    @functools.partial(
        pl.kernel,
        out_type=jax.ShapeDtypeStruct((NC, n_pad, F), jnp.float32),
        mesh=_mesh(),
        scratch_types=[
            pltpu.VMEM_SHARED((n_pad, F), jnp.float32),
            pltpu.VMEM((per_w, CHUNK), jnp.int32),
            pltpu.VMEM((CHUNK, F), jnp.float32),
            pltpu.SemaphoreType.DMA,
        ],
        compiler_params=_SC_PARAMS,
    )
    def deg_kernel(ei_hbm, zeros_hbm, ones_hbm, out_hbm,
                   deg_sp, idx_v, ones_v, ssem):
        cid = lax.axis_index("c")
        sid = lax.axis_index("s")
        wid = sid * NC + cid
        sl = pl.ds(sid * rows_per_tile, rows_per_tile)
        pltpu.sync_copy(zeros_hbm.at[sl], deg_sp.at[sl])
        pltpu.sync_copy(ei_hbm.at[1, pl.ds(wid * per_w, per_w)], idx_v)
        pltpu.sync_copy(ones_hbm, ones_v)
        plsc.subcore_barrier()

        def body(j, carry):
            pltpu.async_copy(ones_v, deg_sp.at[idx_v.at[j]], ssem, add=True)

            @pl.when(j >= depth)
            def _():
                pltpu.make_async_copy(
                    ones_v, deg_sp.at[idx_v.at[j - depth]], ssem).wait()

            return carry

        lax.fori_loop(0, per_w, body, 0)
        for k in range(depth):
            pltpu.make_async_copy(
                ones_v, deg_sp.at[idx_v.at[per_w - depth + k]], ssem).wait()
        plsc.subcore_barrier()
        pltpu.sync_copy(deg_sp.at[sl], out_hbm.at[cid, sl])

    return deg_kernel


def _make_agg_kernel(n_pad: int, chunks_total: int):
    per_w = chunks_total // NW
    rows_per_tile = n_pad // NS
    nbuf = 4
    ga = 3
    sd = nbuf - ga

    @functools.partial(
        pl.kernel,
        out_type=jax.ShapeDtypeStruct((NC, n_pad, F), jnp.float32),
        mesh=_mesh(),
        scratch_types=[
            pltpu.VMEM_SHARED((n_pad, F), jnp.float32),
            pltpu.VMEM_SHARED((n_pad, F), jnp.float32),
            pltpu.VMEM((per_w, CHUNK), jnp.int32),
            pltpu.VMEM((per_w, CHUNK), jnp.int32),
            pltpu.VMEM((nbuf, CHUNK, F), jnp.float32),
            pltpu.SemaphoreType.DMA,
            pltpu.SemaphoreType.DMA,
        ],
        compiler_params=_SC_PARAMS,
    )
    def agg_kernel(g_hbm, ei_hbm, zeros_hbm, out_hbm,
                   agg_sp, g_sp, src_v, dst_v, rows_v, gsem, ssem):
        cid = lax.axis_index("c")
        sid = lax.axis_index("s")
        wid = sid * NC + cid
        sl = pl.ds(sid * rows_per_tile, rows_per_tile)
        pltpu.sync_copy(zeros_hbm.at[sl], agg_sp.at[sl])
        pltpu.sync_copy(g_hbm.at[sl], g_sp.at[sl])
        pltpu.sync_copy(ei_hbm.at[0, pl.ds(wid * per_w, per_w)], src_v)
        pltpu.sync_copy(ei_hbm.at[1, pl.ds(wid * per_w, per_w)], dst_v)
        plsc.subcore_barrier()

        for k in range(ga):
            pltpu.async_copy(g_sp.at[src_v.at[k]], rows_v.at[k], gsem)

        def step(j, b):
            pltpu.make_async_copy(
                g_sp.at[src_v.at[j]], rows_v.at[b], gsem).wait()
            pltpu.async_copy(
                rows_v.at[b], agg_sp.at[dst_v.at[j]], ssem, add=True)

            @pl.when(j >= sd)
            def _():
                pb = (b + nbuf - sd) % nbuf
                pltpu.make_async_copy(
                    rows_v.at[pb], agg_sp.at[dst_v.at[j - sd]], ssem).wait()

            @pl.when(j + ga < per_w)
            def _():
                nb = (b + ga) % nbuf
                pltpu.async_copy(
                    g_sp.at[src_v.at[j + ga]], rows_v.at[nb], gsem)

        def body(jj, carry):
            j = jj * nbuf
            for k in range(nbuf):
                step(j + k, k)
            return carry

        lax.fori_loop(0, per_w // nbuf, body, 0)
        for k in range(sd):
            j = per_w - sd + k
            pltpu.make_async_copy(
                rows_v.at[j % nbuf], agg_sp.at[dst_v.at[j]], ssem).wait()
        plsc.subcore_barrier()
        pltpu.sync_copy(agg_sp.at[sl], out_hbm.at[cid, sl])

    return agg_kernel


def _tc1_body(dp_ref, xg_ref, w1k_ref, dinv_ref, g1_ref):
    deg = dp_ref[0] + dp_ref[1] + 1.0
    dinv = lax.rsqrt(deg)
    dinv_ref[...] = dinv
    h = jnp.dot(xg_ref[...], w1k_ref[...], preferred_element_type=jnp.float32)
    g1_ref[...] = h * dinv


def _tc2_body(n_valid, agg_ref, g1_ref, dinv_ref, b1_ref, w2k_ref, g2_ref):
    dinv = dinv_ref[...]
    s = agg_ref[0] + agg_ref[1] + g1_ref[...]
    z = jnp.maximum(dinv * s + b1_ref[...], 0.0)
    grp = lax.broadcasted_iota(jnp.int32, z.shape, 0)
    lane = lax.broadcasted_iota(jnp.int32, z.shape, 1)
    node = grp * PACK + lax.shift_right_logical(lane, 4)
    z = jnp.where(node < n_valid, z, 0.0)
    g2_ref[...] = jnp.dot(z, w2k_ref[...],
                          preferred_element_type=jnp.float32) * dinv


def _tc3_body(n_groups, agg_ref, g2_ref, dinv_ref, b2_ref, onesk_ref, out_ref):
    y = dinv_ref[...] * (agg_ref[0] + agg_ref[1] + g2_ref[...]) + b2_ref[...]
    m = jnp.max(y, axis=1, keepdims=True)
    e = jnp.exp(y - m)
    s = jnp.dot(e, onesk_ref[...], preferred_element_type=jnp.float32)
    out_ref[...] = (y - m - jnp.log(s))[:n_groups]


def kernel(x, edge_index, W1, b1, W2, b2):
    n, d = x.shape
    e = edge_index.shape[1]
    h = W1.shape[1]
    c = W2.shape[1]
    assert h == F and c == F and n % PACK == 0

    n_pad = ((n + 511) // 512 + (1 if n % 512 == 0 else 0)) * 512
    g_rows = n_pad // PACK
    e_pad = ((e + NW * CHUNK * 8 - 1) // (NW * CHUNK * 8)) * (NW * CHUNK * 8)
    chunks_total = e_pad // CHUNK

    n_spread = min(128, n_pad - n)
    lane = lax.broadcasted_iota(jnp.int32, (chunks_total, CHUNK), 1)
    pad3 = n + (lane & (n_spread - 1))
    ei = jnp.broadcast_to(pad3, (2, chunks_total, CHUNK))
    fc, rem = e // CHUNK, e % CHUNK
    ei = ei.at[:, :fc, :].set(edge_index[:, :fc * CHUNK].reshape(2, fc, CHUNK))
    if rem:
        ei = ei.at[:, fc, :rem].set(edge_index[:, fc * CHUNK:])
    x_pad = jnp.zeros((n_pad, d), x.dtype).at[:n].set(x)
    x_g = x_pad.reshape(g_rows, PACK * d)
    eye = jnp.eye(PACK, dtype=jnp.float32)
    w1k = jnp.kron(eye, W1)
    w2k = jnp.kron(eye, W2)
    onesk = jnp.kron(eye, jnp.ones((F, F), jnp.float32))
    b1p = jnp.tile(b1, PACK).reshape(1, 128)
    b2p = jnp.tile(b2, PACK).reshape(1, 128)
    zeros_rows = jnp.zeros((n_pad, F), jnp.float32)
    ones_rows = jnp.ones((CHUNK, F), jnp.float32)

    deg_parts = _make_deg_kernel(n_pad, chunks_total)(ei, zeros_rows, ones_rows)
    deg_p = deg_parts.reshape(NC, g_rows, 128)

    dinv, g1p = pl.pallas_call(
        _tc1_body,
        out_shape=(jax.ShapeDtypeStruct((g_rows, 128), jnp.float32),
                   jax.ShapeDtypeStruct((g_rows, 128), jnp.float32)),
    )(deg_p, x_g, w1k)

    agg_fn = _make_agg_kernel(n_pad, chunks_total)

    agg1 = agg_fn(g1p.reshape(n_pad, F), ei, zeros_rows)

    g2p = pl.pallas_call(
        functools.partial(_tc2_body, n),
        out_shape=jax.ShapeDtypeStruct((g_rows, 128), jnp.float32),
    )(agg1.reshape(NC, g_rows, 128), g1p, dinv, b1p, w2k)

    agg2 = agg_fn(g2p.reshape(n_pad, F), ei, zeros_rows)

    outp = pl.pallas_call(
        functools.partial(_tc3_body, n // PACK),
        out_shape=jax.ShapeDtypeStruct((n // PACK, 128), jnp.float32),
    )(agg2.reshape(NC, g_rows, 128), g2p, dinv, b2p, onesk)

    return outp.reshape(n, F)

# --- scband reference (transcript-rebuilt; emitter-appended) ---
"""Pipeline reference for scband-gcn-1872605741592 (READ-ONLY COPY).

The authoritative reference and input builder live on the scoring server;
editing this copy changes nothing except your own understanding.
"""

import jax, jax.numpy as jnp
import numpy as np

N = 10000
E = 320000
D = 128
H = 16
C = 16


def setup_inputs(seed: int = 0) -> dict:
    key = jax.random.key(seed)
    k1, k2, k3, k4, k5, k6 = jax.random.split(key, 6)
    x = jax.random.normal(k1, (N, D), dtype=jnp.float32)
    edge_index = jax.random.randint(k2, (2, E), 0, N, dtype=jnp.int32)
    # GCNConv parameters (glorot-style init for weights, zeros for bias)
    W1 = jax.random.normal(k3, (D, H), dtype=jnp.float32) * (1.0 / np.sqrt(D))
    b1 = jnp.zeros((H,), dtype=jnp.float32)
    W2 = jax.random.normal(k4, (H, C), dtype=jnp.float32) * (1.0 / np.sqrt(H))
    b2 = jnp.zeros((C,), dtype=jnp.float32)
    return {"x": x, "edge_index": edge_index, "W1": W1, "b1": b1, "W2": W2, "b2": b2}


def gcn_conv(x, edge_index, W, b):
    # PyG GCNConv: add self loops, symmetric degree normalization, sum-aggregate
    n = x.shape[0]
    loop = jnp.arange(n, dtype=edge_index.dtype)
    src = jnp.concatenate([edge_index[0], loop])
    dst = jnp.concatenate([edge_index[1], loop])
    deg = jax.ops.segment_sum(jnp.ones_like(src, dtype=x.dtype), dst, num_segments=n)
    dinv = jnp.where(deg > 0, jax.lax.rsqrt(deg), 0.0)
    norm = dinv[src] * dinv[dst]
    h = x @ W
    msg = h[src] * norm[:, None]
    out = jax.ops.segment_sum(msg, dst, num_segments=n)
    return out + b


def reference(x, edge_index, W1, b1, W2, b2):
    h = jax.nn.relu(gcn_conv(x, edge_index, W1, b1))
    # F.dropout(training=...) treated as eval-mode identity for determinism
    out = gcn_conv(h, edge_index, W2, b2)
    return jax.nn.log_softmax(out, axis=1)

if __name__ == "__main__":
    import jax
    _d = setup_inputs()
    print(jax.jit(kernel)(*tuple(_d.values())))

</pallas_src>

<mosaic_0001>
#map = affine_map<(d0, d1) -> (0, 0)>
#map1 = affine_map<(d0, d1) -> (0, 0, 0)>
module attributes {stable_mosaic.version = 14 : i64} {
  func.func @agg_kernel(%arg0: i32, %arg1: i32, %arg2: memref<10240x16xf32, #tpu.memory_space<hbm>>, %arg3: memref<2x2560x128xi32, #tpu.memory_space<hbm>>, %arg4: memref<10240x16xf32, #tpu.memory_space<hbm>>, %arg5: memref<2x10240x16xf32, #tpu.memory_space<hbm>>, %arg6: memref<10240x16xf32, #tpu.memory_space<vmem_shared>>, %arg7: memref<10240x16xf32, #tpu.memory_space<vmem_shared>>, %arg8: memref<80x128xi32, #tpu.memory_space<vmem>>, %arg9: memref<80x128xi32, #tpu.memory_space<vmem>>, %arg10: memref<4x128x16xf32, #tpu.memory_space<vmem>>, %arg11: memref<!tpu.dma_semaphore, #tpu.memory_space<semaphore_mem>>, %arg12: memref<!tpu.dma_semaphore, #tpu.memory_space<semaphore_mem>>) attributes {dimension_semantics = [#tpu.dimension_semantics<core_parallel>, #tpu.dimension_semantics<subcore_parallel>], iteration_bounds = array<i64: 2, 16>, scalar_prefetch = 0 : i64, scratch_operands = 7 : i64, tpu.core_type = #tpu.core_type<sc_vector_subcore>, window_params = [{transform_indices = #map}, {transform_indices = #map1}, {transform_indices = #map}, {transform_indices = #map1}]} {
    %mul3A = arith.constant 2 : i32
    %mul3A_0 = arith.muli %arg1, %mul3A : i32
    %add3A = arith.addi %mul3A_0, %arg0 : i32
    %mul3A_1 = arith.constant 640 : i32
    %mul3A_2 = arith.muli %arg1, %mul3A_1 : i32
    "tpu.region"() ({
      %run_scoped3A_60 = tpu.sem_alloc : memref<!tpu.dma_semaphore, #tpu.memory_space<semaphore_mem>>
      %dma_start3A_61 = arith.constant 0 : i32
      %dma_start3A_62 = tpu.memref_slice %arg6[%mul3A_2, %dma_start3A_61] : memref<10240x16xf32, #tpu.memory_space<vmem_shared>> -> memref<640x16xf32, #tpu.memory_space<vmem_shared>>
      %dma_start3A_63 = arith.constant 0 : i32
      %dma_start3A_64 = tpu.memref_slice %arg4[%mul3A_2, %dma_start3A_63] : memref<10240x16xf32, #tpu.memory_space<hbm>> -> memref<640x16xf32, #tpu.memory_space<hbm>>
      tpu.enqueue_dma source(%dma_start3A_64 : memref<640x16xf32, #tpu.memory_space<hbm>>) target(%dma_start3A_62 : memref<640x16xf32, #tpu.memory_space<vmem_shared>>) target_semaphore(%run_scoped3A_60 : memref<!tpu.dma_semaphore, #tpu.memory_space<semaphore_mem>>)
      %dma_wait3A_65 = arith.constant 0 : i32
      %dma_wait3A_66 = tpu.memref_slice %arg6[%mul3A_2, %dma_wait3A_65] : memref<10240x16xf32, #tpu.memory_space<vmem_shared>> -> memref<640x16xf32, #tpu.memory_space<vmem_shared>>
      %dma_wait3A_67 = arith.constant 0 : i32
      %dma_wait3A_68 = tpu.memref_slice %arg4[%mul3A_2, %dma_wait3A_67] : memref<10240x16xf32, #tpu.memory_space<hbm>> -> memref<640x16xf32, #tpu.memory_space<hbm>>
      tpu.wait_dma2 semaphore(%run_scoped3A_60 : memref<!tpu.dma_semaphore, #tpu.memory_space<semaphore_mem>>) src(%dma_wait3A_68 : memref<640x16xf32, #tpu.memory_space<hbm>>) dst(%dma_wait3A_66 : memref<640x16xf32, #tpu.memory_space<vmem_shared>>)
      tpu.yield
    }) : () -> ()
    "tpu.region"() ({
      %run_scoped3A_60 = tpu.sem_alloc : memref<!tpu.dma_semaphore, #tpu.memory_space<semaphore_mem>>
      %dma_start3A_61 = arith.constant 0 : i32
      %dma_start3A_62 = tpu.memref_slice %arg7[%mul3A_2, %dma_start3A_61] : memref<10240x16xf32, #tpu.memory_space<vmem_shared>> -> memref<640x16xf32, #tpu.memory_space<vmem_shared>>
      %dma_start3A_63 = arith.constant 0 : i32
      %dma_start3A_64 = tpu.memref_slice %arg2[%mul3A_2, %dma_start3A_63] : memref<10240x16xf32, #tpu.memory_space<hbm>> -> memref<640x16xf32, #tpu.memory_space<hbm>>
      tpu.enqueue_dma source(%dma_start3A_64 : memref<640x16xf32, #tpu.memory_space<hbm>>) target(%dma_start3A_62 : memref<640x16xf32, #tpu.memory_space<vmem_shared>>) target_semaphore(%run_scoped3A_60 : memref<!tpu.dma_semaphore, #tpu.memory_space<semaphore_mem>>)
      %dma_wait3A_65 = arith.constant 0 : i32
      %dma_wait3A_66 = tpu.memref_slice %arg7[%mul3A_2, %dma_wait3A_65] : memref<10240x16xf32, #tpu.memory_space<vmem_shared>> -> memref<640x16xf32, #tpu.memory_space<vmem_shared>>
      %dma_wait3A_67 = arith.constant 0 : i32
      %dma_wait3A_68 = tpu.memref_slice %arg2[%mul3A_2, %dma_wait3A_67] : memref<10240x16xf32, #tpu.memory_space<hbm>> -> memref<640x16xf32, #tpu.memory_space<hbm>>
      tpu.wait_dma2 semaphore(%run_scoped3A_60 : memref<!tpu.dma_semaphore, #tpu.memory_space<semaphore_mem>>) src(%dma_wait3A_68 : memref<640x16xf32, #tpu.memory_space<hbm>>) dst(%dma_wait3A_66 : memref<640x16xf32, #tpu.memory_space<vmem_shared>>)
      tpu.yield
    }) : () -> ()
    %mul3A_3 = arith.constant 80 : i32
    %mul3A_4 = arith.muli %add3A, %mul3A_3 : i32
    %run_scoped3A = arith.constant 0 : i32
    "tpu.region"() ({
      %run_scoped3A_60 = tpu.sem_alloc : memref<!tpu.dma_semaphore, #tpu.memory_space<semaphore_mem>>
      %dma_start3A_61 = arith.constant 0 : i32
      %dma_start3A_62 = tpu.memref_slice %arg3[%run_scoped3A, %mul3A_4, %dma_start3A_61] : memref<2x2560x128xi32, #tpu.memory_space<hbm>> -> memref<1x80x128xi32, #tpu.memory_space<hbm>>
      %dma_start3A_63 = tpu.memref_squeeze %dma_start3A_62 : memref<1x80x128xi32, #tpu.memory_space<hbm>> -> memref<80x128xi32, #tpu.memory_space<hbm>>
      %dma_start3A_64 = arith.constant 0 : i32
      %dma_start3A_65 = tpu.memref_slice %arg3[%run_scoped3A, %mul3A_4, %dma_start3A_64] : memref<2x2560x128xi32, #tpu.memory_space<hbm>> -> memref<1x80x128xi32, #tpu.memory_space<hbm>>
      %dma_start3A_66 = tpu.memref_squeeze %dma_start3A_65 : memref<1x80x128xi32, #tpu.memory_space<hbm>> -> memref<80x128xi32, #tpu.memory_space<hbm>>
      tpu.enqueue_dma source(%dma_start3A_66 : memref<80x128xi32, #tpu.memory_space<hbm>>) target(%arg8 : memref<80x128xi32, #tpu.memory_space<vmem>>) target_semaphore(%run_scoped3A_60 : memref<!tpu.dma_semaphore, #tpu.memory_space<semaphore_mem>>)
      %dma_wait3A_67 = arith.constant 0 : i32
      %dma_wait3A_68 = tpu.memref_slice %arg3[%run_scoped3A, %mul3A_4, %dma_wait3A_67] : memref<2x2560x128xi32, #tpu.memory_space<hbm>> -> memref<1x80x128xi32, #tpu.memory_space<hbm>>
      %dma_wait3A_69 = tpu.memref_squeeze %dma_wait3A_68 : memref<1x80x128xi32, #tpu.memory_space<hbm>> -> memref<80x128xi32, #tpu.memory_space<hbm>>
      %dma_wait3A_70 = arith.constant 0 : i32
      %dma_wait3A_71 = tpu.memref_slice %arg3[%run_scoped3A, %mul3A_4, %dma_wait3A_70] : memref<2x2560x128xi32, #tpu.memory_space<hbm>> -> memref<1x80x128xi32, #tpu.memory_space<hbm>>
      %dma_wait3A_72 = tpu.memref_squeeze %dma_wait3A_71 : memref<1x80x128xi32, #tpu.memory_space<hbm>> -> memref<80x128xi32, #tpu.memory_space<hbm>>
      tpu.wait_dma2 semaphore(%run_scoped3A_60 : memref<!tpu.dma_semaphore, #tpu.memory_space<semaphore_mem>>) src(%dma_wait3A_72 : memref<80x128xi32, #tpu.memory_space<hbm>>) dst(%arg8 : memref<80x128xi32, #tpu.memory_space<vmem>>)
      tpu.yield
    }) : () -> ()
    %mul3A_5 = arith.constant 80 : i32
    %mul3A_6 = arith.muli %add3A, %mul3A_5 : i32
    %run_scoped3A_7 = arith.constant 1 : i32
    "tpu.region"() ({
      %run_scoped3A_60 = tpu.sem_alloc : memref<!tpu.dma_semaphore, #tpu.memory_space<semaphore_mem>>
      %dma_start3A_61 = arith.constant 0 : i32
      %dma_start3A_62 = tpu.memref_slice %arg3[%run_scoped3A_7, %mul3A_6, %dma_start3A_61] : memref<2x2560x128xi32, #tpu.memory_space<hbm>> -> memref<1x80x128xi32, #tpu.memory_space<hbm>>
      %dma_start3A_63 = tpu.memref_squeeze %dma_start3A_62 : memref<1x80x128xi32, #tpu.memory_space<hbm>> -> memref<80x128xi32, #tpu.memory_space<hbm>>
      %dma_start3A_64 = arith.constant 0 : i32
      %dma_start3A_65 = tpu.memref_slice %arg3[%run_scoped3A_7, %mul3A_6, %dma_start3A_64] : memref<2x2560x128xi32, #tpu.memory_space<hbm>> -> memref<1x80x128xi32, #tpu.memory_space<hbm>>
      %dma_start3A_66 = tpu.memref_squeeze %dma_start3A_65 : memref<1x80x128xi32, #tpu.memory_space<hbm>> -> memref<80x128xi32, #tpu.memory_space<hbm>>
      tpu.enqueue_dma source(%dma_start3A_66 : memref<80x128xi32, #tpu.memory_space<hbm>>) target(%arg9 : memref<80x128xi32, #tpu.memory_space<vmem>>) target_semaphore(%run_scoped3A_60 : memref<!tpu.dma_semaphore, #tpu.memory_space<semaphore_mem>>)
      %dma_wait3A_67 = arith.constant 0 : i32
      %dma_wait3A_68 = tpu.memref_slice %arg3[%run_scoped3A_7, %mul3A_6, %dma_wait3A_67] : memref<2x2560x128xi32, #tpu.memory_space<hbm>> -> memref<1x80x128xi32, #tpu.memory_space<hbm>>
      %dma_wait3A_69 = tpu.memref_squeeze %dma_wait3A_68 : memref<1x80x128xi32, #tpu.memory_space<hbm>> -> memref<80x128xi32, #tpu.memory_space<hbm>>
      %dma_wait3A_70 = arith.constant 0 : i32
      %dma_wait3A_71 = tpu.memref_slice %arg3[%run_scoped3A_7, %mul3A_6, %dma_wait3A_70] : memref<2x2560x128xi32, #tpu.memory_space<hbm>> -> memref<1x80x128xi32, #tpu.memory_space<hbm>>
      %dma_wait3A_72 = tpu.memref_squeeze %dma_wait3A_71 : memref<1x80x128xi32, #tpu.memory_space<hbm>> -> memref<80x128xi32, #tpu.memory_space<hbm>>
      tpu.wait_dma2 semaphore(%run_scoped3A_60 : memref<!tpu.dma_semaphore, #tpu.memory_space<semaphore_mem>>) src(%dma_wait3A_72 : memref<80x128xi32, #tpu.memory_space<hbm>>) dst(%arg9 : memref<80x128xi32, #tpu.memory_space<vmem>>)
      tpu.yield
    }) : () -> ()
    %barrier3A = arith.constant 0 : index
    tpu.barrier barrier_id(%barrier3A)
    %dma_start3A = arith.constant 0 : i32
    %dma_start3A_8 = arith.constant 0 : i32
    %dma_start3A_9 = arith.constant 0 : i32
    %dma_start3A_10 = arith.constant 0 : i32
    %dma_start3A_11 = tpu.memref_slice %arg10[%dma_start3A_8, %dma_start3A_9, %dma_start3A_10] : memref<4x128x16xf32, #tpu.memory_space<vmem>> -> memref<1x128x16xf32, #tpu.memory_space<vmem>>
    %dma_start3A_12 = tpu.memref_squeeze %dma_start3A_11 : memref<1x128x16xf32, #tpu.memory_space<vmem>> -> memref<128x16xf32, #tpu.memory_space<vmem>>
    %dma_start3A_13 = arith.constant 0 : i32
    %dma_start3A_14 = tpu.memref_slice %arg8[%dma_start3A, %dma_start3A_13] : memref<80x128xi32, #tpu.memory_space<vmem>> -> memref<1x128xi32, #tpu.memory_space<vmem>>
    %dma_start3A_15 = tpu.memref_squeeze %dma_start3A_14 : memref<1x128xi32, #tpu.memory_space<vmem>> -> memref<128xi32, #tpu.memory_space<vmem>>
    %dma_start3A_16 = arith.constant 0 : i32
    %dma_start3A_17 = arith.constant 0 : i32
    %dma_start3A_18 = tpu.memref_slice %arg7[%dma_start3A_16, %dma_start3A_17] : memref<10240x16xf32, #tpu.memory_space<vmem_shared>> -> memref<10240x16xf32, #tpu.memory_space<vmem_shared>>
    tpu.enqueue_indirect_dma source(%dma_start3A_18 : memref<10240x16xf32, #tpu.memory_space<vmem_shared>>) target(%dma_start3A_12 : memref<128x16xf32, #tpu.memory_space<vmem>>) offsets(%dma_start3A_15 : memref<128xi32, #tpu.memory_space<vmem>>) semaphore(%arg11 : memref<!tpu.dma_semaphore, #tpu.memory_space<semaphore_mem>>)
    %dma_start3A_19 = arith.constant 1 : i32
    %dma_start3A_20 = arith.constant 1 : i32
    %dma_start3A_21 = arith.constant 0 : i32
    %dma_start3A_22 = arith.constant 0 : i32
    %dma_start3A_23 = tpu.memref_slice %arg10[%dma_start3A_20, %dma_start3A_21, %dma_start3A_22] : memref<4x128x16xf32, #tpu.memory_space<vmem>> -> memref<1x128x16xf32, #tpu.memory_space<vmem>>
    %dma_start3A_24 = tpu.memref_squeeze %dma_start3A_23 : memref<1x128x16xf32, #tpu.memory_space<vmem>> -> memref<128x16xf32, #tpu.memory_space<vmem>>
    %dma_start3A_25 = arith.constant 0 : i32
    %dma_start3A_26 = tpu.memref_slice %arg8[%dma_start3A_19, %dma_start3A_25] : memref<80x128xi32, #tpu.memory_space<vmem>> -> memref<1x128xi32, #tpu.memory_space<vmem>>
    %dma_start3A_27 = tpu.memref_squeeze %dma_start3A_26 : memref<1x128xi32, #tpu.memory_space<vmem>> -> memref<128xi32, #tpu.memory_space<vmem>>
    %dma_start3A_28 = arith.constant 0 : i32
    %dma_start3A_29 = arith.constant 0 : i32
    %dma_start3A_30 = tpu.memref_slice %arg7[%dma_start3A_28, %dma_start3A_29] : memref<10240x16xf32, #tpu.memory_space<vmem_shared>> -> memref<10240x16xf32, #tpu.memory_space<vmem_shared>>
    tpu.enqueue_indirect_dma source(%dma_start3A_30 : memref<10240x16xf32, #tpu.memory_space<vmem_shared>>) target(%dma_start3A_24 : memref<128x16xf32, #tpu.memory_space<vmem>>) offsets(%dma_start3A_27 : memref<128xi32, #tpu.memory_space<vmem>>) semaphore(%arg11 : memref<!tpu.dma_semaphore, #tpu.memory_space<semaphore_mem>>)
    %dma_start3A_31 = arith.constant 2 : i32
    %dma_start3A_32 = arith.constant 2 : i32
    %dma_start3A_33 = arith.constant 0 : i32
    %dma_start3A_34 = arith.constant 0 : i32
    %dma_start3A_35 = tpu.memref_slice %arg10[%dma_start3A_32, %dma_start3A_33, %dma_start3A_34] : memref<4x128x16xf32, #tpu.memory_space<vmem>> -> memref<1x128x16xf32, #tpu.memory_space<vmem>>
    %dma_start3A_36 = tpu.memref_squeeze %dma_start3A_35 : memref<1x128x16xf32, #tpu.memory_space<vmem>> -> memref<128x16xf32, #tpu.memory_space<vmem>>
    %dma_start3A_37 = arith.constant 0 : i32
    %dma_start3A_38 = tpu.memref_slice %arg8[%dma_start3A_31, %dma_start3A_37] : memref<80x128xi32, #tpu.memory_space<vmem>> -> memref<1x128xi32, #tpu.memory_space<vmem>>
    %dma_start3A_39 = tpu.memref_squeeze %dma_start3A_38 : memref<1x128xi32, #tpu.memory_space<vmem>> -> memref<128xi32, #tpu.memory_space<vmem>>
    %dma_start3A_40 = arith.constant 0 : i32
    %dma_start3A_41 = arith.constant 0 : i32
    %dma_start3A_42 = tpu.memref_slice %arg7[%dma_start3A_40, %dma_start3A_41] : memref<10240x16xf32, #tpu.memory_space<vmem_shared>> -> memref<10240x16xf32, #tpu.memory_space<vmem_shared>>
    tpu.enqueue_indirect_dma source(%dma_start3A_42 : memref<10240x16xf32, #tpu.memory_space<vmem_shared>>) target(%dma_start3A_36 : memref<128x16xf32, #tpu.memory_space<vmem>>) offsets(%dma_start3A_39 : memref<128xi32, #tpu.memory_space<vmem>>) semaphore(%arg11 : memref<!tpu.dma_semaphore, #tpu.memory_space<semaphore_mem>>)
    %scan3A = arith.constant 0 : i32
    %scan3A_43 = arith.constant 0 : i32
    %scan3A_44 = arith.constant 20 : i32
    %scan3A_45 = arith.addi %scan3A_43, %scan3A_44 : i32
    %scan3A_46 = arith.constant 1 : i32
    scf.for %scan3A_60 = %scan3A_43 to %scan3A_45 step %scan3A_46  : i32 {
      %mul3A_61 = arith.constant 4 : i32
      %mul3A_62 = arith.muli %scan3A_60, %mul3A_61 : i32
      %add3A_63 = arith.constant 0 : i32
      %add3A_64 = arith.addi %mul3A_62, %add3A_63 : i32
      %dma_wait3A_65 = arith.constant 0 : i32
      %dma_wait3A_66 = arith.constant 0 : i32
      %dma_wait3A_67 = arith.constant 0 : i32
      %dma_wait3A_68 = tpu.memref_slice %arg10[%dma_wait3A_65, %dma_wait3A_66, %dma_wait3A_67] : memref<4x128x16xf32, #tpu.memory_space<vmem>> -> memref<1x128x16xf32, #tpu.memory_space<vmem>>
      %dma_wait3A_69 = tpu.memref_squeeze %dma_wait3A_68 : memref<1x128x16xf32, #tpu.memory_space<vmem>> -> memref<128x16xf32, #tpu.memory_space<vmem>>
      %dma_wait3A_70 = arith.constant 0 : i32
      %dma_wait3A_71 = tpu.memref_slice %arg8[%add3A_64, %dma_wait3A_70] : memref<80x128xi32, #tpu.memory_space<vmem>> -> memref<1x128xi32, #tpu.memory_space<vmem>>
      %dma_wait3A_72 = tpu.memref_squeeze %dma_wait3A_71 : memref<1x128xi32, #tpu.memory_space<vmem>> -> memref<128xi32, #tpu.memory_space<vmem>>
      %dma_wait3A_73 = arith.constant 0 : i32
      %dma_wait3A_74 = arith.constant 0 : i32
      %dma_wait3A_75 = tpu.memref_slice %arg7[%dma_wait3A_73, %dma_wait3A_74] : memref<10240x16xf32, #tpu.memory_space<vmem_shared>> -> memref<10240x16xf32, #tpu.memory_space<vmem_shared>>
      tpu.wait_indirect_dma semaphore(%arg11 : memref<!tpu.dma_semaphore, #tpu.memory_space<semaphore_mem>>) src(%dma_wait3A_75 : memref<10240x16xf32, #tpu.memory_space<vmem_shared>>) dst(%dma_wait3A_69 : memref<128x16xf32, #tpu.memory_space<vmem>>)
      %dma_start3A_76 = arith.constant 0 : i32
      %dma_start3A_77 = arith.constant 0 : i32
      %dma_start3A_78 = arith.constant 0 : i32
      %dma_start3A_79 = tpu.memref_slice %arg10[%dma_start3A_76, %dma_start3A_77, %dma_start3A_78] : memref<4x128x16xf32, #tpu.memory_space<vmem>> -> memref<1x128x16xf32, #tpu.memory_space<vmem>>
      %dma_start3A_80 = tpu.memref_squeeze %dma_start3A_79 : memref<1x128x16xf32, #tpu.memory_space<vmem>> -> memref<128x16xf32, #tpu.memory_space<vmem>>
      %dma_start3A_81 = arith.constant 0 : i32
      %dma_start3A_82 = tpu.memref_slice %arg9[%add3A_64, %dma_start3A_81] : memref<80x128xi32, #tpu.memory_space<vmem>> -> memref<1x128xi32, #tpu.memory_space<vmem>>
      %dma_start3A_83 = tpu.memref_squeeze %dma_start3A_82 : memref<1x128xi32, #tpu.memory_space<vmem>> -> memref<128xi32, #tpu.memory_space<vmem>>
      %dma_start3A_84 = arith.constant 0 : i32
      %dma_start3A_85 = arith.constant 0 : i32
      %dma_start3A_86 = tpu.memref_slice %arg6[%dma_start3A_84, %dma_start3A_85] : memref<10240x16xf32, #tpu.memory_space<vmem_shared>> -> memref<10240x16xf32, #tpu.memory_space<vmem_shared>>
      tpu.enqueue_indirect_dma source(%dma_start3A_80 : memref<128x16xf32, #tpu.memory_space<vmem>>) target(%dma_start3A_86 : memref<10240x16xf32, #tpu.memory_space<vmem_shared>>) offsets(%dma_start3A_83 : memref<128xi32, #tpu.memory_space<vmem>>) semaphore(%arg12 : memref<!tpu.dma_semaphore, #tpu.memory_space<semaphore_mem>>) {add = true}
      %ge3A = arith.constant 1 : i32
      %ge3A_87 = arith.cmpi sge, %add3A_64, %ge3A : i32
      %convert_element_type3A = arith.extui %ge3A_87 : i1 to i32
      %cond3A = arith.constant 0 : i32
      %cond3A_88 = arith.cmpi ne, %convert_element_type3A, %cond3A : i32
      scf.if %cond3A_88 {
        %sub3A = arith.constant 1 : i32
        %sub3A_203 = arith.subi %add3A_64, %sub3A : i32
        %dma_wait3A_204 = arith.constant 3 : i32
        %dma_wait3A_205 = arith.constant 0 : i32
        %dma_wait3A_206 = arith.constant 0 : i32
        %dma_wait3A_207 = tpu.memref_slice %arg10[%dma_wait3A_204, %dma_wait3A_205, %dma_wait3A_206] : memref<4x128x16xf32, #tpu.memory_space<vmem>> -> memref<1x128x16xf32, #tpu.memory_space<vmem>>
        %dma_wait3A_208 = tpu.memref_squeeze %dma_wait3A_207 : memref<1x128x16xf32, #tpu.memory_space<vmem>> -> memref<128x16xf32, #tpu.memory_space<vmem>>
        %dma_wait3A_209 = arith.constant 0 : i32
        %dma_wait3A_210 = tpu.memref_slice %arg9[%sub3A_203, %dma_wait3A_209] : memref<80x128xi32, #tpu.memory_space<vmem>> -> memref<1x128xi32, #tpu.memory_space<vmem>>
        %dma_wait3A_211 = tpu.memref_squeeze %dma_wait3A_210 : memref<1x128xi32, #tpu.memory_space<vmem>> -> memref<128xi32, #tpu.memory_space<vmem>>
        %dma_wait3A_212 = arith.constant 0 : i32
        %dma_wait3A_213 = arith.constant 0 : i32
        %dma_wait3A_214 = tpu.memref_slice %arg6[%dma_wait3A_212, %dma_wait3A_213] : memref<10240x16xf32, #tpu.memory_space<vmem_shared>> -> memref<10240x16xf32, #tpu.memory_space<vmem_shared>>
        tpu.wait_indirect_dma semaphore(%arg12 : memref<!tpu.dma_semaphore, #tpu.memory_space<semaphore_mem>>) src(%dma_wait3A_208 : memref<128x16xf32, #tpu.memory_space<vmem>>) dst(%dma_wait3A_214 : memref<10240x16xf32, #tpu.memory_space<vmem_shared>>)
      } else {
      }
      %add3A_89 = arith.constant 3 : i32
      %add3A_90 = arith.addi %add3A_64, %add3A_89 : i32
      %lt3A = arith.constant 80 : i32
      %lt3A_91 = arith.cmpi slt, %add3A_90, %lt3A : i32
      %convert_element_type3A_92 = arith.extui %lt3A_91 : i1 to i32
      %cond3A_93 = arith.constant 0 : i32
      %cond3A_94 = arith.cmpi ne, %convert_element_type3A_92, %cond3A_93 : i32
      scf.if %cond3A_94 {
        %add3A_203 = arith.constant 3 : i32
        %add3A_204 = arith.addi %add3A_64, %add3A_203 : i32
        %dma_start3A_205 = arith.constant 3 : i32
        %dma_start3A_206 = arith.constant 0 : i32
        %dma_start3A_207 = arith.constant 0 : i32
        %dma_start3A_208 = tpu.memref_slice %arg10[%dma_start3A_205, %dma_start3A_206, %dma_start3A_207] : memref<4x128x16xf32, #tpu.memory_space<vmem>> -> memref<1x128x16xf32, #tpu.memory_space<vmem>>
        %dma_start3A_209 = tpu.memref_squeeze %dma_start3A_208 : memref<1x128x16xf32, #tpu.memory_space<vmem>> -> memref<128x16xf32, #tpu.memory_space<vmem>>
        %dma_start3A_210 = arith.constant 0 : i32
        %dma_start3A_211 = tpu.memref_slice %arg8[%add3A_204, %dma_start3A_210] : memref<80x128xi32, #tpu.memory_space<vmem>> -> memref<1x128xi32, #tpu.memory_space<vmem>>
        %dma_start3A_212 = tpu.memref_squeeze %dma_start3A_211 : memref<1x128xi32, #tpu.memory_space<vmem>> -> memref<128xi32, #tpu.memory_space<vmem>>
        %dma_start3A_213 = arith.constant 0 : i32
        %dma_start3A_214 = arith.constant 0 : i32
        %dma_start3A_215 = tpu.memref_slice %arg7[%dma_start3A_213, %dma_start3A_214] : memref<10240x16xf32, #tpu.memory_space<vmem_shared>> -> memref<10240x16xf32, #tpu.memory_space<vmem_shared>>
        tpu.enqueue_indirect_dma source(%dma_start3A_215 : memref<10240x16xf32, #tpu.memory_space<vmem_shared>>) target(%dma_start3A_209 : memref<128x16xf32, #tpu.memory_space<vmem>>) offsets(%dma_start3A_212 : memref<128xi32, #tpu.memory_space<vmem>>) semaphore(%arg11 : memref<!tpu.dma_semaphore, #tpu.memory_space<semaphore_mem>>)
      } else {
      }
      %add3A_95 = arith.constant 1 : i32
      %add3A_96 = arith.addi %mul3A_62, %add3A_95 : i32
      %dma_wait3A_97 = arith.constant 1 : i32
      %dma_wait3A_98 = arith.constant 0 : i32
      %dma_wait3A_99 = arith.constant 0 : i32
      %dma_wait3A_100 = tpu.memref_slice %arg10[%dma_wait3A_97, %dma_wait3A_98, %dma_wait3A_99] : memref<4x128x16xf32, #tpu.memory_space<vmem>> -> memref<1x128x16xf32, #tpu.memory_space<vmem>>
      %dma_wait3A_101 = tpu.memref_squeeze %dma_wait3A_100 : memref<1x128x16xf32, #tpu.memory_space<vmem>> -> memref<128x16xf32, #tpu.memory_space<vmem>>
      %dma_wait3A_102 = arith.constant 0 : i32
      %dma_wait3A_103 = tpu.memref_slice %arg8[%add3A_96, %dma_wait3A_102] : memref<80x128xi32, #tpu.memory_space<vmem>> -> memref<1x128xi32, #tpu.memory_space<vmem>>
      %dma_wait3A_104 = tpu.memref_squeeze %dma_wait3A_103 : memref<1x128xi32, #tpu.memory_space<vmem>> -> memref<128xi32, #tpu.memory_space<vmem>>
      %dma_wait3A_105 = arith.constant 0 : i32
      %dma_wait3A_106 = arith.constant 0 : i32
      %dma_wait3A_107 = tpu.memref_slice %arg7[%dma_wait3A_105, %dma_wait3A_106] : memref<10240x16xf32, #tpu.memory_space<vmem_shared>> -> memref<10240x16xf32, #tpu.memory_space<vmem_shared>>
      tpu.wait_indirect_dma semaphore(%arg11 : memref<!tpu.dma_semaphore, #tpu.memory_space<semaphore_mem>>) src(%dma_wait3A_107 : memref<10240x16xf32, #tpu.memory_space<vmem_shared>>) dst(%dma_wait3A_101 : memref<128x16xf32, #tpu.memory_space<vmem>>)
      %dma_start3A_108 = arith.constant 1 : i32
      %dma_start3A_109 = arith.constant 0 : i32
      %dma_start3A_110 = arith.constant 0 : i32
      %dma_start3A_111 = tpu.memref_slice %arg10[%dma_start3A_108, %dma_start3A_109, %dma_start3A_110] : memref<4x128x16xf32, #tpu.memory_space<vmem>> -> memref<1x128x16xf32, #tpu.memory_space<vmem>>
      %dma_start3A_112 = tpu.memref_squeeze %dma_start3A_111 : memref<1x128x16xf32, #tpu.memory_space<vmem>> -> memref<128x16xf32, #tpu.memory_space<vmem>>
      %dma_start3A_113 = arith.constant 0 : i32
      %dma_start3A_114 = tpu.memref_slice %arg9[%add3A_96, %dma_start3A_113] : memref<80x128xi32, #tpu.memory_space<vmem>> -> memref<1x128xi32, #tpu.memory_space<vmem>>
      %dma_start3A_115 = tpu.memref_squeeze %dma_start3A_114 : memref<1x128xi32, #tpu.memory_space<vmem>> -> memref<128xi32, #tpu.memory_space<vmem>>
      %dma_start3A_116 = arith.constant 0 : i32
      %dma_start3A_117 = arith.constant 0 : i32
      %dma_start3A_118 = tpu.memref_slice %arg6[%dma_start3A_116, %dma_start3A_117] : memref<10240x16xf32, #tpu.memory_space<vmem_shared>> -> memref<10240x16xf32, #tpu.memory_space<vmem_shared>>
      tpu.enqueue_indirect_dma source(%dma_start3A_112 : memref<128x16xf32, #tpu.memory_space<vmem>>) target(%dma_start3A_118 : memref<10240x16xf32, #tpu.memory_space<vmem_shared>>) offsets(%dma_start3A_115 : memref<128xi32, #tpu.memory_space<vmem>>) semaphore(%arg12 : memref<!tpu.dma_semaphore, #tpu.memory_space<semaphore_mem>>) {add = true}
      %ge3A_119 = arith.constant 1 : i32
      %ge3A_120 = arith.cmpi sge, %add3A_96, %ge3A_119 : i32
      %convert_element_type3A_121 = arith.extui %ge3A_120 : i1 to i32
      %cond3A_122 = arith.constant 0 : i32
      %cond3A_123 = arith.cmpi ne, %convert_element_type3A_121, %cond3A_122 : i32
      scf.if %cond3A_123 {
        %sub3A = arith.constant 1 : i32
        %sub3A_203 = arith.subi %add3A_96, %sub3A : i32
        %dma_wait3A_204 = arith.constant 0 : i32
        %dma_wait3A_205 = arith.constant 0 : i32
        %dma_wait3A_206 = arith.constant 0 : i32
        %dma_wait3A_207 = tpu.memref_slice %arg10[%dma_wait3A_204, %dma_wait3A_205, %dma_wait3A_206] : memref<4x128x16xf32, #tpu.memory_space<vmem>> -> memref<1x128x16xf32, #tpu.memory_space<vmem>>
        %dma_wait3A_208 = tpu.memref_squeeze %dma_wait3A_207 : memref<1x128x16xf32, #tpu.memory_space<vmem>> -> memref<128x16xf32, #tpu.memory_space<vmem>>
        %dma_wait3A_209 = arith.constant 0 : i32
        %dma_wait3A_210 = tpu.memref_slice %arg9[%sub3A_203, %dma_wait3A_209] : memref<80x128xi32, #tpu.memory_space<vmem>> -> memref<1x128xi32, #tpu.memory_space<vmem>>
        %dma_wait3A_211 = tpu.memref_squeeze %dma_wait3A_210 : memref<1x128xi32, #tpu.memory_space<vmem>> -> memref<128xi32, #tpu.memory_space<vmem>>
        %dma_wait3A_212 = arith.constant 0 : i32
        %dma_wait3A_213 = arith.constant 0 : i32
        %dma_wait3A_214 = tpu.memref_slice %arg6[%dma_wait3A_212, %dma_wait3A_213] : memref<10240x16xf32, #tpu.memory_space<vmem_shared>> -> memref<10240x16xf32, #tpu.memory_space<vmem_shared>>
        tpu.wait_indirect_dma semaphore(%arg12 : memref<!tpu.dma_semaphore, #tpu.memory_space<semaphore_mem>>) src(%dma_wait3A_208 : memref<128x16xf32, #tpu.memory_space<vmem>>) dst(%dma_wait3A_214 : memref<10240x16xf32, #tpu.memory_space<vmem_shared>>)
      } else {
      }
      %add3A_124 = arith.constant 3 : i32
      %add3A_125 = arith.addi %add3A_96, %add3A_124 : i32
      %lt3A_126 = arith.constant 80 : i32
      %lt3A_127 = arith.cmpi slt, %add3A_125, %lt3A_126 : i32
      %convert_element_type3A_128 = arith.extui %lt3A_127 : i1 to i32
      %cond3A_129 = arith.constant 0 : i32
      %cond3A_130 = arith.cmpi ne, %convert_element_type3A_128, %cond3A_129 : i32
      scf.if %cond3A_130 {
        %add3A_203 = arith.constant 3 : i32
        %add3A_204 = arith.addi %add3A_96, %add3A_203 : i32
        %dma_start3A_205 = arith.constant 0 : i32
        %dma_start3A_206 = arith.constant 0 : i32
        %dma_start3A_207 = arith.constant 0 : i32
        %dma_start3A_208 = tpu.memref_slice %arg10[%dma_start3A_205, %dma_start3A_206, %dma_start3A_207] : memref<4x128x16xf32, #tpu.memory_space<vmem>> -> memref<1x128x16xf32, #tpu.memory_space<vmem>>
        %dma_start3A_209 = tpu.memref_squeeze %dma_start3A_208 : memref<1x128x16xf32, #tpu.memory_space<vmem>> -> memref<128x16xf32, #tpu.memory_space<vmem>>
        %dma_start3A_210 = arith.constant 0 : i32
        %dma_start3A_211 = tpu.memref_slice %arg8[%add3A_204, %dma_start3A_210] : memref<80x128xi32, #tpu.memory_space<vmem>> -> memref<1x128xi32, #tpu.memory_space<vmem>>
        %dma_start3A_212 = tpu.memref_squeeze %dma_start3A_211 : memref<1x128xi32, #tpu.memory_space<vmem>> -> memref<128xi32, #tpu.memory_space<vmem>>
        %dma_start3A_213 = arith.constant 0 : i32
        %dma_start3A_214 = arith.constant 0 : i32
        %dma_start3A_215 = tpu.memref_slice %arg7[%dma_start3A_213, %dma_start3A_214] : memref<10240x16xf32, #tpu.memory_space<vmem_shared>> -> memref<10240x16xf32, #tpu.memory_space<vmem_shared>>
        tpu.enqueue_indirect_dma source(%dma_start3A_215 : memref<10240x16xf32, #tpu.memory_space<vmem_shared>>) target(%dma_start3A_209 : memref<128x16xf32, #tpu.memory_space<vmem>>) offsets(%dma_start3A_212 : memref<128xi32, #tpu.memory_space<vmem>>) semaphore(%arg11 : memref<!tpu.dma_semaphore, #tpu.memory_space<semaphore_mem>>)
      } else {
      }
      %add3A_131 = arith.constant 2 : i32
      %add3A_132 = arith.addi %mul3A_62, %add3A_131 : i32
      %dma_wait3A_133 = arith.constant 2 : i32
      %dma_wait3A_134 = arith.constant 0 : i32
      %dma_wait3A_135 = arith.constant 0 : i32
      %dma_wait3A_136 = tpu.memref_slice %arg10[%dma_wait3A_133, %dma_wait3A_134, %dma_wait3A_135] : memref<4x128x16xf32, #tpu.memory_space<vmem>> -> memref<1x128x16xf32, #tpu.memory_space<vmem>>
      %dma_wait3A_137 = tpu.memref_squeeze %dma_wait3A_136 : memref<1x128x16xf32, #tpu.memory_space<vmem>> -> memref<128x16xf32, #tpu.memory_space<vmem>>
      %dma_wait3A_138 = arith.constant 0 : i32
      %dma_wait3A_139 = tpu.memref_slice %arg8[%add3A_132, %dma_wait3A_138] : memref<80x128xi32, #tpu.memory_space<vmem>> -> memref<1x128xi32, #tpu.memory_space<vmem>>
      %dma_wait3A_140 = tpu.memref_squeeze %dma_wait3A_139 : memref<1x128xi32, #tpu.memory_space<vmem>> -> memref<128xi32, #tpu.memory_space<vmem>>
      %dma_wait3A_141 = arith.constant 0 : i32
      %dma_wait3A_142 = arith.constant 0 : i32
      %dma_wait3A_143 = tpu.memref_slice %arg7[%dma_wait3A_141, %dma_wait3A_142] : memref<10240x16xf32, #tpu.memory_space<vmem_shared>> -> memref<10240x16xf32, #tpu.memory_space<vmem_shared>>
      tpu.wait_indirect_dma semaphore(%arg11 : memref<!tpu.dma_semaphore, #tpu.memory_space<semaphore_mem>>) src(%dma_wait3A_143 : memref<10240x16xf32, #tpu.memory_space<vmem_shared>>) dst(%dma_wait3A_137 : memref<128x16xf32, #tpu.memory_space<vmem>>)
      %dma_start3A_144 = arith.constant 2 : i32
      %dma_start3A_145 = arith.constant 0 : i32
      %dma_start3A_146 = arith.constant 0 : i32
      %dma_start3A_147 = tpu.memref_slice %arg10[%dma_start3A_144, %dma_start3A_145, %dma_start3A_146] : memref<4x128x16xf32, #tpu.memory_space<vmem>> -> memref<1x128x16xf32, #tpu.memory_space<vmem>>
      %dma_start3A_148 = tpu.memref_squeeze %dma_start3A_147 : memref<1x128x16xf32, #tpu.memory_space<vmem>> -> memref<128x16xf32, #tpu.memory_space<vmem>>
      %dma_start3A_149 = arith.constant 0 : i32
      %dma_start3A_150 = tpu.memref_slice %arg9[%add3A_132, %dma_start3A_149] : memref<80x128xi32, #tpu.memory_space<vmem>> -> memref<1x128xi32, #tpu.memory_space<vmem>>
      %dma_start3A_151 = tpu.memref_squeeze %dma_start3A_150 : memref<1x128xi32, #tpu.memory_space<vmem>> -> memref<128xi32, #tpu.memory_space<vmem>>
      %dma_start3A_152 = arith.constant 0 : i32
      %dma_start3A_153 = arith.constant 0 : i32
      %dma_start3A_154 = tpu.memref_slice %arg6[%dma_start3A_152, %dma_start3A_153] : memref<10240x16xf32, #tpu.memory_space<vmem_shared>> -> memref<10240x16xf32, #tpu.memory_space<vmem_shared>>
      tpu.enqueue_indirect_dma source(%dma_start3A_148 : memref<128x16xf32, #tpu.memory_space<vmem>>) target(%dma_start3A_154 : memref<10240x16xf32, #tpu.memory_space<vmem_shared>>) offsets(%dma_start3A_151 : memref<128xi32, #tpu.memory_space<vmem>>) semaphore(%arg12 : memref<!tpu.dma_semaphore, #tpu.memory_space<semaphore_mem>>) {add = true}
      %ge3A_155 = arith.constant 1 : i32
      %ge3A_156 = arith.cmpi sge, %add3A_132, %ge3A_155 : i32
      %convert_element_type3A_157 = arith.extui %ge3A_156 : i1 to i32
      %cond3A_158 = arith.constant 0 : i32
      %cond3A_159 = arith.cmpi ne, %convert_element_type3A_157, %cond3A_158 : i32
      scf.if %cond3A_159 {
        %sub3A = arith.constant 1 : i32
        %sub3A_203 = arith.subi %add3A_132, %sub3A : i32
        %dma_wait3A_204 = arith.constant 1 : i32
        %dma_wait3A_205 = arith.constant 0 : i32
        %dma_wait3A_206 = arith.constant 0 : i32
        %dma_wait3A_207 = tpu.memref_slice %arg10[%dma_wait3A_204, %dma_wait3A_205, %dma_wait3A_206] : memref<4x128x16xf32, #tpu.memory_space<vmem>> -> memref<1x128x16xf32, #tpu.memory_space<vmem>>
        %dma_wait3A_208 = tpu.memref_squeeze %dma_wait3A_207 : memref<1x128x16xf32, #tpu.memory_space<vmem>> -> memref<128x16xf32, #tpu.memory_space<vmem>>
        %dma_wait3A_209 = arith.constant 0 : i32
        %dma_wait3A_210 = tpu.memref_slice %arg9[%sub3A_203, %dma_wait3A_209] : memref<80x128xi32, #tpu.memory_space<vmem>> -> memref<1x128xi32, #tpu.memory_space<vmem>>
        %dma_wait3A_211 = tpu.memref_squeeze %dma_wait3A_210 : memref<1x128xi32, #tpu.memory_space<vmem>> -> memref<128xi32, #tpu.memory_space<vmem>>
        %dma_wait3A_212 = arith.constant 0 : i32
        %dma_wait3A_213 = arith.constant 0 : i32
        %dma_wait3A_214 = tpu.memref_slice %arg6[%dma_wait3A_212, %dma_wait3A_213] : memref<10240x16xf32, #tpu.memory_space<vmem_shared>> -> memref<10240x16xf32, #tpu.memory_space<vmem_shared>>
        tpu.wait_indirect_dma semaphore(%arg12 : memref<!tpu.dma_semaphore, #tpu.memory_space<semaphore_mem>>) src(%dma_wait3A_208 : memref<128x16xf32, #tpu.memory_space<vmem>>) dst(%dma_wait3A_214 : memref<10240x16xf32, #tpu.memory_space<vmem_shared>>)
      } else {
      }
      %add3A_160 = arith.constant 3 : i32
      %add3A_161 = arith.addi %add3A_132, %add3A_160 : i32
      %lt3A_162 = arith.constant 80 : i32
      %lt3A_163 = arith.cmpi slt, %add3A_161, %lt3A_162 : i32
      %convert_element_type3A_164 = arith.extui %lt3A_163 : i1 to i32
      %cond3A_165 = arith.constant 0 : i32
      %cond3A_166 = arith.cmpi ne, %convert_element_type3A_164, %cond3A_165 : i32
      scf.if %cond3A_166 {
        %add3A_203 = arith.constant 3 : i32
        %add3A_204 = arith.addi %add3A_132, %add3A_203 : i32
        %dma_start3A_205 = arith.constant 1 : i32
        %dma_start3A_206 = arith.constant 0 : i32
        %dma_start3A_207 = arith.constant 0 : i32
        %dma_start3A_208 = tpu.memref_slice %arg10[%dma_start3A_205, %dma_start3A_206, %dma_start3A_207] : memref<4x128x16xf32, #tpu.memory_space<vmem>> -> memref<1x128x16xf32, #tpu.memory_space<vmem>>
        %dma_start3A_209 = tpu.memref_squeeze %dma_start3A_208 : memref<1x128x16xf32, #tpu.memory_space<vmem>> -> memref<128x16xf32, #tpu.memory_space<vmem>>
        %dma_start3A_210 = arith.constant 0 : i32
        %dma_start3A_211 = tpu.memref_slice %arg8[%add3A_204, %dma_start3A_210] : memref<80x128xi32, #tpu.memory_space<vmem>> -> memref<1x128xi32, #tpu.memory_space<vmem>>
        %dma_start3A_212 = tpu.memref_squeeze %dma_start3A_211 : memref<1x128xi32, #tpu.memory_space<vmem>> -> memref<128xi32, #tpu.memory_space<vmem>>
        %dma_start3A_213 = arith.constant 0 : i32
        %dma_start3A_214 = arith.constant 0 : i32
        %dma_start3A_215 = tpu.memref_slice %arg7[%dma_start3A_213, %dma_start3A_214] : memref<10240x16xf32, #tpu.memory_space<vmem_shared>> -> memref<10240x16xf32, #tpu.memory_space<vmem_shared>>
        tpu.enqueue_indirect_dma source(%dma_start3A_215 : memref<10240x16xf32, #tpu.memory_space<vmem_shared>>) target(%dma_start3A_209 : memref<128x16xf32, #tpu.memory_space<vmem>>) offsets(%dma_start3A_212 : memref<128xi32, #tpu.memory_space<vmem>>) semaphore(%arg11 : memref<!tpu.dma_semaphore, #tpu.memory_space<semaphore_mem>>)
      } else {
      }
      %add3A_167 = arith.constant 3 : i32
      %add3A_168 = arith.addi %mul3A_62, %add3A_167 : i32
      %dma_wait3A_169 = arith.constant 3 : i32
      %dma_wait3A_170 = arith.constant 0 : i32
      %dma_wait3A_171 = arith.constant 0 : i32
      %dma_wait3A_172 = tpu.memref_slice %arg10[%dma_wait3A_169, %dma_wait3A_170, %dma_wait3A_171] : memref<4x128x16xf32, #tpu.memory_space<vmem>> -> memref<1x128x16xf32, #tpu.memory_space<vmem>>
      %dma_wait3A_173 = tpu.memref_squeeze %dma_wait3A_172 : memref<1x128x16xf32, #tpu.memory_space<vmem>> -> memref<128x16xf32, #tpu.memory_space<vmem>>
      %dma_wait3A_174 = arith.constant 0 : i32
      %dma_wait3A_175 = tpu.memref_slice %arg8[%add3A_168, %dma_wait3A_174] : memref<80x128xi32, #tpu.memory_space<vmem>> -> memref<1x128xi32, #tpu.memory_space<vmem>>
      %dma_wait3A_176 = tpu.memref_squeeze %dma_wait3A_175 : memref<1x128xi32, #tpu.memory_space<vmem>> -> memref<128xi32, #tpu.memory_space<vmem>>
      %dma_wait3A_177 = arith.constant 0 : i32
      %dma_wait3A_178 = arith.constant 0 : i32
      %dma_wait3A_179 = tpu.memref_slice %arg7[%dma_wait3A_177, %dma_wait3A_178] : memref<10240x16xf32, #tpu.memory_space<vmem_shared>> -> memref<10240x16xf32, #tpu.memory_space<vmem_shared>>
      tpu.wait_indirect_dma semaphore(%arg11 : memref<!tpu.dma_semaphore, #tpu.memory_space<semaphore_mem>>) src(%dma_wait3A_179 : memref<10240x16xf32, #tpu.memory_space<vmem_shared>>) dst(%dma_wait3A_173 : memref<128x16xf32, #tpu.memory_space<vmem>>)
      %dma_start3A_180 = arith.constant 3 : i32
      %dma_start3A_181 = arith.constant 0 : i32
      %dma_start3A_182 = arith.constant 0 : i32
      %dma_start3A_183 = tpu.memref_slice %arg10[%dma_start3A_180, %dma_start3A_181, %dma_start3A_182] : memref<4x128x16xf32, #tpu.memory_space<vmem>> -> memref<1x128x16xf32, #tpu.memory_space<vmem>>
      %dma_start3A_184 = tpu.memref_squeeze %dma_start3A_183 : memref<1x128x16xf32, #tpu.memory_space<vmem>> -> memref<128x16xf32, #tpu.memory_space<vmem>>
      %dma_start3A_185 = arith.constant 0 : i32
      %dma_start3A_186 = tpu.memref_slice %arg9[%add3A_168, %dma_start3A_185] : memref<80x128xi32, #tpu.memory_space<vmem>> -> memref<1x128xi32, #tpu.memory_space<vmem>>
      %dma_start3A_187 = tpu.memref_squeeze %dma_start3A_186 : memref<1x128xi32, #tpu.memory_space<vmem>> -> memref<128xi32, #tpu.memory_space<vmem>>
      %dma_start3A_188 = arith.constant 0 : i32
      %dma_start3A_189 = arith.constant 0 : i32
      %dma_start3A_190 = tpu.memref_slice %arg6[%dma_start3A_188, %dma_start3A_189] : memref<10240x16xf32, #tpu.memory_space<vmem_shared>> -> memref<10240x16xf32, #tpu.memory_space<vmem_shared>>
      tpu.enqueue_indirect_dma source(%dma_start3A_184 : memref<128x16xf32, #tpu.memory_space<vmem>>) target(%dma_start3A_190 : memref<10240x16xf32, #tpu.memory_space<vmem_shared>>) offsets(%dma_start3A_187 : memref<128xi32, #tpu.memory_space<vmem>>) semaphore(%arg12 : memref<!tpu.dma_semaphore, #tpu.memory_space<semaphore_mem>>) {add = true}
      %ge3A_191 = arith.constant 1 : i32
      %ge3A_192 = arith.cmpi sge, %add3A_168, %ge3A_191 : i32
      %convert_element_type3A_193 = arith.extui %ge3A_192 : i1 to i32
      %cond3A_194 = arith.constant 0 : i32
      %cond3A_195 = arith.cmpi ne, %convert_element_type3A_193, %cond3A_194 : i32
      scf.if %cond3A_195 {
        %sub3A = arith.constant 1 : i32
        %sub3A_203 = arith.subi %add3A_168, %sub3A : i32
        %dma_wait3A_204 = arith.constant 2 : i32
        %dma_wait3A_205 = arith.constant 0 : i32
        %dma_wait3A_206 = arith.constant 0 : i32
        %dma_wait3A_207 = tpu.memref_slice %arg10[%dma_wait3A_204, %dma_wait3A_205, %dma_wait3A_206] : memref<4x128x16xf32, #tpu.memory_space<vmem>> -> memref<1x128x16xf32, #tpu.memory_space<vmem>>
        %dma_wait3A_208 = tpu.memref_squeeze %dma_wait3A_207 : memref<1x128x16xf32, #tpu.memory_space<vmem>> -> memref<128x16xf32, #tpu.memory_space<vmem>>
        %dma_wait3A_209 = arith.constant 0 : i32
        %dma_wait3A_210 = tpu.memref_slice %arg9[%sub3A_203, %dma_wait3A_209] : memref<80x128xi32, #tpu.memory_space<vmem>> -> memref<1x128xi32, #tpu.memory_space<vmem>>
        %dma_wait3A_211 = tpu.memref_squeeze %dma_wait3A_210 : memref<1x128xi32, #tpu.memory_space<vmem>> -> memref<128xi32, #tpu.memory_space<vmem>>
        %dma_wait3A_212 = arith.constant 0 : i32
        %dma_wait3A_213 = arith.constant 0 : i32
        %dma_wait3A_214 = tpu.memref_slice %arg6[%dma_wait3A_212, %dma_wait3A_213] : memref<10240x16xf32, #tpu.memory_space<vmem_shared>> -> memref<10240x16xf32, #tpu.memory_space<vmem_shared>>
        tpu.wait_indirect_dma semaphore(%arg12 : memref<!tpu.dma_semaphore, #tpu.memory_space<semaphore_mem>>) src(%dma_wait3A_208 : memref<128x16xf32, #tpu.memory_space<vmem>>) dst(%dma_wait3A_214 : memref<10240x16xf32, #tpu.memory_space<vmem_shared>>)
      } else {
      }
      %add3A_196 = arith.constant 3 : i32
      %add3A_197 = arith.addi %add3A_168, %add3A_196 : i32
      %lt3A_198 = arith.constant 80 : i32
      %lt3A_199 = arith.cmpi slt, %add3A_197, %lt3A_198 : i32
      %convert_element_type3A_200 = arith.extui %lt3A_199 : i1 to i32
      %cond3A_201 = arith.constant 0 : i32
      %cond3A_202 = arith.cmpi ne, %convert_element_type3A_200, %cond3A_201 : i32
      scf.if %cond3A_202 {
        %add3A_203 = arith.constant 3 : i32
        %add3A_204 = arith.addi %add3A_168, %add3A_203 : i32
        %dma_start3A_205 = arith.constant 2 : i32
        %dma_start3A_206 = arith.constant 0 : i32
        %dma_start3A_207 = arith.constant 0 : i32
        %dma_start3A_208 = tpu.memref_slice %arg10[%dma_start3A_205, %dma_start3A_206, %dma_start3A_207] : memref<4x128x16xf32, #tpu.memory_space<vmem>> -> memref<1x128x16xf32, #tpu.memory_space<vmem>>
        %dma_start3A_209 = tpu.memref_squeeze %dma_start3A_208 : memref<1x128x16xf32, #tpu.memory_space<vmem>> -> memref<128x16xf32, #tpu.memory_space<vmem>>
        %dma_start3A_210 = arith.constant 0 : i32
        %dma_start3A_211 = tpu.memref_slice %arg8[%add3A_204, %dma_start3A_210] : memref<80x128xi32, #tpu.memory_space<vmem>> -> memref<1x128xi32, #tpu.memory_space<vmem>>
        %dma_start3A_212 = tpu.memref_squeeze %dma_start3A_211 : memref<1x128xi32, #tpu.memory_space<vmem>> -> memref<128xi32, #tpu.memory_space<vmem>>
        %dma_start3A_213 = arith.constant 0 : i32
        %dma_start3A_214 = arith.constant 0 : i32
        %dma_start3A_215 = tpu.memref_slice %arg7[%dma_start3A_213, %dma_start3A_214] : memref<10240x16xf32, #tpu.memory_space<vmem_shared>> -> memref<10240x16xf32, #tpu.memory_space<vmem_shared>>
        tpu.enqueue_indirect_dma source(%dma_start3A_215 : memref<10240x16xf32, #tpu.memory_space<vmem_shared>>) target(%dma_start3A_209 : memref<128x16xf32, #tpu.memory_space<vmem>>) offsets(%dma_start3A_212 : memref<128xi32, #tpu.memory_space<vmem>>) semaphore(%arg11 : memref<!tpu.dma_semaphore, #tpu.memory_space<semaphore_mem>>)
      } else {
      }
    }
    %scan3A_47 = arith.constant 20 : i32
    %dma_wait3A = arith.constant 3 : i32
    %dma_wait3A_48 = arith.constant 79 : i32
    %dma_wait3A_49 = arith.constant 0 : i32
    %dma_wait3A_50 = arith.constant 0 : i32
    %dma_wait3A_51 = tpu.memref_slice %arg10[%dma_wait3A, %dma_wait3A_49, %dma_wait3A_50] : memref<4x128x16xf32, #tpu.memory_space<vmem>> -> memref<1x128x16xf32, #tpu.memory_space<vmem>>
    %dma_wait3A_52 = tpu.memref_squeeze %dma_wait3A_51 : memref<1x128x16xf32, #tpu.memory_space<vmem>> -> memref<128x16xf32, #tpu.memory_space<vmem>>
    %dma_wait3A_53 = arith.constant 0 : i32
    %dma_wait3A_54 = tpu.memref_slice %arg9[%dma_wait3A_48, %dma_wait3A_53] : memref<80x128xi32, #tpu.memory_space<vmem>> -> memref<1x128xi32, #tpu.memory_space<vmem>>
    %dma_wait3A_55 = tpu.memref_squeeze %dma_wait3A_54 : memref<1x128xi32, #tpu.memory_space<vmem>> -> memref<128xi32, #tpu.memory_space<vmem>>
    %dma_wait3A_56 = arith.constant 0 : i32
    %dma_wait3A_57 = arith.constant 0 : i32
    %dma_wait3A_58 = tpu.memref_slice %arg6[%dma_wait3A_56, %dma_wait3A_57] : memref<10240x16xf32, #tpu.memory_space<vmem_shared>> -> memref<10240x16xf32, #tpu.memory_space<vmem_shared>>
    tpu.wait_indirect_dma semaphore(%arg12 : memref<!tpu.dma_semaphore, #tpu.memory_space<semaphore_mem>>) src(%dma_wait3A_52 : memref<128x16xf32, #tpu.memory_space<vmem>>) dst(%dma_wait3A_58 : memref<10240x16xf32, #tpu.memory_space<vmem_shared>>)
    %barrier3A_59 = arith.constant 0 : index
    tpu.barrier barrier_id(%barrier3A_59)
    "tpu.region"() ({
      %run_scoped3A_60 = tpu.sem_alloc : memref<!tpu.dma_semaphore, #tpu.memory_space<semaphore_mem>>
      %dma_start3A_61 = arith.constant 0 : i32
      %dma_start3A_62 = tpu.memref_slice %arg5[%arg0, %mul3A_2, %dma_start3A_61] : memref<2x10240x16xf32, #tpu.memory_space<hbm>> -> memref<1x640x16xf32, #tpu.memory_space<hbm>>
      %dma_start3A_63 = tpu.memref_squeeze %dma_start3A_62 : memref<1x640x16xf32, #tpu.memory_space<hbm>> -> memref<640x16xf32, #tpu.memory_space<hbm>>
      %dma_start3A_64 = arith.constant 0 : i32
      %dma_start3A_65 = tpu.memref_slice %arg6[%mul3A_2, %dma_start3A_64] : memref<10240x16xf32, #tpu.memory_space<vmem_shared>> -> memref<640x16xf32, #tpu.memory_space<vmem_shared>>
      tpu.enqueue_dma source(%dma_start3A_65 : memref<640x16xf32, #tpu.memory_space<vmem_shared>>) target(%dma_start3A_63 : memref<640x16xf32, #tpu.memory_space<hbm>>) target_semaphore(%run_scoped3A_60 : memref<!tpu.dma_semaphore, #tpu.memory_space<semaphore_mem>>)
      %dma_wait3A_66 = arith.constant 0 : i32
      %dma_wait3A_67 = tpu.memref_slice %arg5[%arg0, %mul3A_2, %dma_wait3A_66] : memref<2x10240x16xf32, #tpu.memory_space<hbm>> -> memref<1x640x16xf32, #tpu.memory_space<hbm>>
      %dma_wait3A_68 = tpu.memref_squeeze %dma_wait3A_67 : memref<1x640x16xf32, #tpu.memory_space<hbm>> -> memref<640x16xf32, #tpu.memory_space<hbm>>
      %dma_wait3A_69 = arith.constant 0 : i32
      %dma_wait3A_70 = tpu.memref_slice %arg6[%mul3A_2, %dma_wait3A_69] : memref<10240x16xf32, #tpu.memory_space<vmem_shared>> -> memref<640x16xf32, #tpu.memory_space<vmem_shared>>
      tpu.wait_dma2 semaphore(%run_scoped3A_60 : memref<!tpu.dma_semaphore, #tpu.memory_space<semaphore_mem>>) src(%dma_wait3A_70 : memref<640x16xf32, #tpu.memory_space<vmem_shared>>) dst(%dma_wait3A_68 : memref<640x16xf32, #tpu.memory_space<hbm>>)
      tpu.yield
    }) : () -> ()
    return
  }
}

#map = affine_map<(d0, d1) -> (0, 0)>
#map1 = affine_map<(d0, d1) -> (0, 0, 0)>
module attributes {stable_mosaic.version = 14 : i64} {
  func.func @agg_kernel(%arg0: i32, %arg1: i32, %arg2: memref<10240x16xf32, #tpu.memory_space<hbm>>, %arg3: memref<2x2560x128xi32, #tpu.memory_space<hbm>>, %arg4: memref<10240x16xf32, #tpu.memory_space<hbm>>, %arg5: memref<2x10240x16xf32, #tpu.memory_space<hbm>>, %arg6: memref<10240x16xf32, #tpu.memory_space<vmem_shared>>, %arg7: memref<10240x16xf32, #tpu.memory_space<vmem_shared>>, %arg8: memref<80x128xi32, #tpu.memory_space<vmem>>, %arg9: memref<80x128xi32, #tpu.memory_space<vmem>>, %arg10: memref<4x128x16xf32, #tpu.memory_space<vmem>>, %arg11: memref<!tpu.dma_semaphore, #tpu.memory_space<semaphore_mem>>, %arg12: memref<!tpu.dma_semaphore, #tpu.memory_space<semaphore_mem>>) attributes {dimension_semantics = [#tpu.dimension_semantics<core_parallel>, #tpu.dimension_semantics<subcore_parallel>], iteration_bounds = array<i64: 2, 16>, scalar_prefetch = 0 : i64, scratch_operands = 7 : i64, tpu.core_type = #tpu.core_type<sc_vector_subcore>, window_params = [{transform_indices = #map}, {transform_indices = #map1}, {transform_indices = #map}, {transform_indices = #map1}]} {
    %mul3A = arith.constant 2 : i32
    %mul3A_0 = arith.muli %arg1, %mul3A : i32
    %add3A = arith.addi %mul3A_0, %arg0 : i32
    %mul3A_1 = arith.constant 640 : i32
    %mul3A_2 = arith.muli %arg1, %mul3A_1 : i32
    "tpu.region"() ({
      %run_scoped3A_60 = tpu.sem_alloc : memref<!tpu.dma_semaphore, #tpu.memory_space<semaphore_mem>>
      %dma_start3A_61 = arith.constant 0 : i32
      %dma_start3A_62 = tpu.memref_slice %arg6[%mul3A_2, %dma_start3A_61] : memref<10240x16xf32, #tpu.memory_space<vmem_shared>> -> memref<640x16xf32, #tpu.memory_space<vmem_shared>>
      %dma_start3A_63 = arith.constant 0 : i32
      %dma_start3A_64 = tpu.memref_slice %arg4[%mul3A_2, %dma_start3A_63] : memref<10240x16xf32, #tpu.memory_space<hbm>> -> memref<640x16xf32, #tpu.memory_space<hbm>>
      tpu.enqueue_dma source(%dma_start3A_64 : memref<640x16xf32, #tpu.memory_space<hbm>>) target(%dma_start3A_62 : memref<640x16xf32, #tpu.memory_space<vmem_shared>>) target_semaphore(%run_scoped3A_60 : memref<!tpu.dma_semaphore, #tpu.memory_space<semaphore_mem>>)
      %dma_wait3A_65 = arith.constant 0 : i32
      %dma_wait3A_66 = tpu.memref_slice %arg6[%mul3A_2, %dma_wait3A_65] : memref<10240x16xf32, #tpu.memory_space<vmem_shared>> -> memref<640x16xf32, #tpu.memory_space<vmem_shared>>
      %dma_wait3A_67 = arith.constant 0 : i32
      %dma_wait3A_68 = tpu.memref_slice %arg4[%mul3A_2, %dma_wait3A_67] : memref<10240x16xf32, #tpu.memory_space<hbm>> -> memref<640x16xf32, #tpu.memory_space<hbm>>
      tpu.wait_dma2 semaphore(%run_scoped3A_60 : memref<!tpu.dma_semaphore, #tpu.memory_space<semaphore_mem>>) src(%dma_wait3A_68 : memref<640x16xf32, #tpu.memory_space<hbm>>) dst(%dma_wait3A_66 : memref<640x16xf32, #tpu.memory_space<vmem_shared>>)
      tpu.yield
    }) : () -> ()
    "tpu.region"() ({
      %run_scoped3A_60 = tpu.sem_alloc : memref<!tpu.dma_semaphore, #tpu.memory_space<semaphore_mem>>
      %dma_start3A_61 = arith.constant 0 : i32
      %dma_start3A_62 = tpu.memref_slice %arg7[%mul3A_2, %dma_start3A_61] : memref<10240x16xf32, #tpu.memory_space<vmem_shared>> -> memref<640x16xf32, #tpu.memory_space<vmem_shared>>
      %dma_start3A_63 = arith.constant 0 : i32
      %dma_start3A_64 = tpu.memref_slice %arg2[%mul3A_2, %dma_start3A_63] : memref<10240x16xf32, #tpu.memory_space<hbm>> -> memref<640x16xf32, #tpu.memory_space<hbm>>
      tpu.enqueue_dma source(%dma_start3A_64 : memref<640x16xf32, #tpu.memory_space<hbm>>) target(%dma_start3A_62 : memref<640x16xf32, #tpu.memory_space<vmem_shared>>) target_semaphore(%run_scoped3A_60 : memref<!tpu.dma_semaphore, #tpu.memory_space<semaphore_mem>>)
      %dma_wait3A_65 = arith.constant 0 : i32
      %dma_wait3A_66 = tpu.memref_slice %arg7[%mul3A_2, %dma_wait3A_65] : memref<10240x16xf32, #tpu.memory_space<vmem_shared>> -> memref<640x16xf32, #tpu.memory_space<vmem_shared>>
      %dma_wait3A_67 = arith.constant 0 : i32
      %dma_wait3A_68 = tpu.memref_slice %arg2[%mul3A_2, %dma_wait3A_67] : memref<10240x16xf32, #tpu.memory_space<hbm>> -> memref<640x16xf32, #tpu.memory_space<hbm>>
      tpu.wait_dma2 semaphore(%run_scoped3A_60 : memref<!tpu.dma_semaphore, #tpu.memory_space<semaphore_mem>>) src(%dma_wait3A_68 : memref<640x16xf32, #tpu.memory_space<hbm>>) dst(%dma_wait3A_66 : memref<640x16xf32, #tpu.memory_space<vmem_shared>>)
      tpu.yield
    }) : () -> ()
    %mul3A_3 = arith.constant 80 : i32
    %mul3A_4 = arith.muli %add3A, %mul3A_3 : i32
    %run_scoped3A = arith.constant 0 : i32
    "tpu.region"() ({
      %run_scoped3A_60 = tpu.sem_alloc : memref<!tpu.dma_semaphore, #tpu.memory_space<semaphore_mem>>
      %dma_start3A_61 = arith.constant 0 : i32
      %dma_start3A_62 = tpu.memref_slice %arg3[%run_scoped3A, %mul3A_4, %dma_start3A_61] : memref<2x2560x128xi32, #tpu.memory_space<hbm>> -> memref<1x80x128xi32, #tpu.memory_space<hbm>>
      %dma_start3A_63 = tpu.memref_squeeze %dma_start3A_62 : memref<1x80x128xi32, #tpu.memory_space<hbm>> -> memref<80x128xi32, #tpu.memory_space<hbm>>
      %dma_start3A_64 = arith.constant 0 : i32
      %dma_start3A_65 = tpu.memref_slice %arg3[%run_scoped3A, %mul3A_4, %dma_start3A_64] : memref<2x2560x128xi32, #tpu.memory_space<hbm>> -> memref<1x80x128xi32, #tpu.memory_space<hbm>>
      %dma_start3A_66 = tpu.memref_squeeze %dma_start3A_65 : memref<1x80x128xi32, #tpu.memory_space<hbm>> -> memref<80x128xi32, #tpu.memory_space<hbm>>
      tpu.enqueue_dma source(%dma_start3A_66 : memref<80x128xi32, #tpu.memory_space<hbm>>) target(%arg8 : memref<80x128xi32, #tpu.memory_space<vmem>>) target_semaphore(%run_scoped3A_60 : memref<!tpu.dma_semaphore, #tpu.memory_space<semaphore_mem>>)
      %dma_wait3A_67 = arith.constant 0 : i32
      %dma_wait3A_68 = tpu.memref_slice %arg3[%run_scoped3A, %mul3A_4, %dma_wait3A_67] : memref<2x2560x128xi32, #tpu.memory_space<hbm>> -> memref<1x80x128xi32, #tpu.memory_space<hbm>>
      %dma_wait3A_69 = tpu.memref_squeeze %dma_wait3A_68 : memref<1x80x128xi32, #tpu.memory_space<hbm>> -> memref<80x128xi32, #tpu.memory_space<hbm>>
      %dma_wait3A_70 = arith.constant 0 : i32
      %dma_wait3A_71 = tpu.memref_slice %arg3[%run_scoped3A, %mul3A_4, %dma_wait3A_70] : memref<2x2560x128xi32, #tpu.memory_space<hbm>> -> memref<1x80x128xi32, #tpu.memory_space<hbm>>
      %dma_wait3A_72 = tpu.memref_squeeze %dma_wait3A_71 : memref<1x80x128xi32, #tpu.memory_space<hbm>> -> memref<80x128xi32, #tpu.memory_space<hbm>>
      tpu.wait_dma2 semaphore(%run_scoped3A_60 : memref<!tpu.dma_semaphore, #tpu.memory_space<semaphore_mem>>) src(%dma_wait3A_72 : memref<80x128xi32, #tpu.memory_space<hbm>>) dst(%arg8 : memref<80x128xi32, #tpu.memory_space<vmem>>)
      tpu.yield
    }) : () -> ()
    %mul3A_5 = arith.constant 80 : i32
    %mul3A_6 = arith.muli %add3A, %mul3A_5 : i32
    %run_scoped3A_7 = arith.constant 1 : i32
    "tpu.region"() ({
      %run_scoped3A_60 = tpu.sem_alloc : memref<!tpu.dma_semaphore, #tpu.memory_space<semaphore_mem>>
      %dma_start3A_61 = arith.constant 0 : i32
      %dma_start3A_62 = tpu.memref_slice %arg3[%run_scoped3A_7, %mul3A_6, %dma_start3A_61] : memref<2x2560x128xi32, #tpu.memory_space<hbm>> -> memref<1x80x128xi32, #tpu.memory_space<hbm>>
      %dma_start3A_63 = tpu.memref_squeeze %dma_start3A_62 : memref<1x80x128xi32, #tpu.memory_space<hbm>> -> memref<80x128xi32, #tpu.memory_space<hbm>>
      %dma_start3A_64 = arith.constant 0 : i32
      %dma_start3A_65 = tpu.memref_slice %arg3[%run_scoped3A_7, %mul3A_6, %dma_start3A_64] : memref<2x2560x128xi32, #tpu.memory_space<hbm>> -> memref<1x80x128xi32, #tpu.memory_space<hbm>>
      %dma_start3A_66 = tpu.memref_squeeze %dma_start3A_65 : memref<1x80x128xi32, #tpu.memory_space<hbm>> -> memref<80x128xi32, #tpu.memory_space<hbm>>
      tpu.enqueue_dma source(%dma_start3A_66 : memref<80x128xi32, #tpu.memory_space<hbm>>) target(%arg9 : memref<80x128xi32, #tpu.memory_space<vmem>>) target_semaphore(%run_scoped3A_60 : memref<!tpu.dma_semaphore, #tpu.memory_space<semaphore_mem>>)
      %dma_wait3A_67 = arith.constant 0 : i32
      %dma_wait3A_68 = tpu.memref_slice %arg3[%run_scoped3A_7, %mul3A_6, %dma_wait3A_67] : memref<2x2560x128xi32, #tpu.memory_space<hbm>> -> memref<1x80x128xi32, #tpu.memory_space<hbm>>
      %dma_wait3A_69 = tpu.memref_squeeze %dma_wait3A_68 : memref<1x80x128xi32, #tpu.memory_space<hbm>> -> memref<80x128xi32, #tpu.memory_space<hbm>>
      %dma_wait3A_70 = arith.constant 0 : i32
      %dma_wait3A_71 = tpu.memref_slice %arg3[%run_scoped3A_7, %mul3A_6, %dma_wait3A_70] : memref<2x2560x128xi32, #tpu.memory_space<hbm>> -> memref<1x80x128xi32, #tpu.memory_space<hbm>>
      %dma_wait3A_72 = tpu.memref_squeeze %dma_wait3A_71 : memref<1x80x128xi32, #tpu.memory_space<hbm>> -> memref<80x128xi32, #tpu.memory_space<hbm>>
      tpu.wait_dma2 semaphore(%run_scoped3A_60 : memref<!tpu.dma_semaphore, #tpu.memory_space<semaphore_mem>>) src(%dma_wait3A_72 : memref<80x128xi32, #tpu.memory_space<hbm>>) dst(%arg9 : memref<80x128xi32, #tpu.memory_space<vmem>>)
      tpu.yield
    }) : () -> ()
    %barrier3A = arith.constant 0 : index
    tpu.barrier barrier_id(%barrier3A)
    %dma_start3A = arith.constant 0 : i32
    %dma_start3A_8 = arith.constant 0 : i32
    %dma_start3A_9 = arith.constant 0 : i32
    %dma_start3A_10 = arith.constant 0 : i32
    %dma_start3A_11 = tpu.memref_slice %arg10[%dma_start3A_8, %dma_start3A_9, %dma_start3A_10] : memref<4x128x16xf32, #tpu.memory_space<vmem>> -> memref<1x128x16xf32, #tpu.memory_space<vmem>>
    %dma_start3A_12 = tpu.memref_squeeze %dma_start3A_11 : memref<1x128x16xf32, #tpu.memory_space<vmem>> -> memref<128x16xf32, #tpu.memory_space<vmem>>
    %dma_start3A_13 = arith.constant 0 : i32
    %dma_start3A_14 = tpu.memref_slice %arg8[%dma_start3A, %dma_start3A_13] : memref<80x128xi32, #tpu.memory_space<vmem>> -> memref<1x128xi32, #tpu.memory_space<vmem>>
    %dma_start3A_15 = tpu.memref_squeeze %dma_start3A_14 : memref<1x128xi32, #tpu.memory_space<vmem>> -> memref<128xi32, #tpu.memory_space<vmem>>
    %dma_start3A_16 = arith.constant 0 : i32
    %dma_start3A_17 = arith.constant 0 : i32
    %dma_start3A_18 = tpu.memref_slice %arg7[%dma_start3A_16, %dma_start3A_17] : memref<10240x16xf32, #tpu.memory_space<vmem_shared>> -> memref<10240x16xf32, #tpu.memory_space<vmem_shared>>
    tpu.enqueue_indirect_dma source(%dma_start3A_18 : memref<10240x16xf32, #tpu.memory_space<vmem_shared>>) target(%dma_start3A_12 : memref<128x16xf32, #tpu.memory_space<vmem>>) offsets(%dma_start3A_15 : memref<128xi32, #tpu.memory_space<vmem>>) semaphore(%arg11 : memref<!tpu.dma_semaphore, #tpu.memory_space<semaphore_mem>>)
    %dma_start3A_19 = arith.constant 1 : i32
    %dma_start3A_20 = arith.constant 1 : i32
    %dma_start3A_21 = arith.constant 0 : i32
    %dma_start3A_22 = arith.constant 0 : i32
    %dma_start3A_23 = tpu.memref_slice %arg10[%dma_start3A_20, %dma_start3A_21, %dma_start3A_22] : memref<4x128x16xf32, #tpu.memory_space<vmem>> -> memref<1x128x16xf32, #tpu.memory_space<vmem>>
    %dma_start3A_24 = tpu.memref_squeeze %dma_start3A_23 : memref<1x128x16xf32, #tpu.memory_space<vmem>> -> memref<128x16xf32, #tpu.memory_space<vmem>>
    %dma_start3A_25 = arith.constant 0 : i32
    %dma_start3A_26 = tpu.memref_slice %arg8[%dma_start3A_19, %dma_start3A_25] : memref<80x128xi32, #tpu.memory_space<vmem>> -> memref<1x128xi32, #tpu.memory_space<vmem>>
    %dma_start3A_27 = tpu.memref_squeeze %dma_start3A_26 : memref<1x128xi32, #tpu.memory_space<vmem>> -> memref<128xi32, #tpu.memory_space<vmem>>
    %dma_start3A_28 = arith.constant 0 : i32
    %dma_start3A_29 = arith.constant 0 : i32
    %dma_start3A_30 = tpu.memref_slice %arg7[%dma_start3A_28, %dma_start3A_29] : memref<10240x16xf32, #tpu.memory_space<vmem_shared>> -> memref<10240x16xf32, #tpu.memory_space<vmem_shared>>
    tpu.enqueue_indirect_dma source(%dma_start3A_30 : memref<10240x16xf32, #tpu.memory_space<vmem_shared>>) target(%dma_start3A_24 : memref<128x16xf32, #tpu.memory_space<vmem>>) offsets(%dma_start3A_27 : memref<128xi32, #tpu.memory_space<vmem>>) semaphore(%arg11 : memref<!tpu.dma_semaphore, #tpu.memory_space<semaphore_mem>>)
    %dma_start3A_31 = arith.constant 2 : i32
    %dma_start3A_32 = arith.constant 2 : i32
    %dma_start3A_33 = arith.constant 0 : i32
    %dma_start3A_34 = arith.constant 0 : i32
    %dma_start3A_35 = tpu.memref_slice %arg10[%dma_start3A_32, %dma_start3A_33, %dma_start3A_34] : memref<4x128x16xf32, #tpu.memory_space<vmem>> -> memref<1x128x16xf32, #tpu.memory_space<vmem>>
    %dma_start3A_36 = tpu.memref_squeeze %dma_start3A_35 : memref<1x128x16xf32, #tpu.memory_space<vmem>> -> memref<128x16xf32, #tpu.memory_space<vmem>>
    %dma_start3A_37 = arith.constant 0 : i32
    %dma_start3A_38 = tpu.memref_slice %arg8[%dma_start3A_31, %dma_start3A_37] : memref<80x128xi32, #tpu.memory_space<vmem>> -> memref<1x128xi32, #tpu.memory_space<vmem>>
    %dma_start3A_39 = tpu.memref_squeeze %dma_start3A_38 : memref<1x128xi32, #tpu.memory_space<vmem>> -> memref<128xi32, #tpu.memory_space<vmem>>
    %dma_start3A_40 = arith.constant 0 : i32
    %dma_start3A_41 = arith.constant 0 : i32
    %dma_start3A_42 = tpu.memref_slice %arg7[%dma_start3A_40, %dma_start3A_41] : memref<10240x16xf32, #tpu.memory_space<vmem_shared>> -> memref<10240x16xf32, #tpu.memory_space<vmem_shared>>
    tpu.enqueue_indirect_dma source(%dma_start3A_42 : memref<10240x16xf32, #tpu.memory_space<vmem_shared>>) target(%dma_start3A_36 : memref<128x16xf32, #tpu.memory_space<vmem>>) offsets(%dma_start3A_39 : memref<128xi32, #tpu.memory_space<vmem>>) semaphore(%arg11 : memref<!tpu.dma_semaphore, #tpu.memory_space<semaphore_mem>>)
    %scan3A = arith.constant 0 : i32
    %scan3A_43 = arith.constant 0 : i32
    %scan3A_44 = arith.constant 20 : i32
    %scan3A_45 = arith.addi %scan3A_43, %scan3A_44 : i32
    %scan3A_46 = arith.constant 1 : i32
    scf.for %scan3A_60 = %scan3A_43 to %scan3A_45 step %scan3A_46  : i32 {
      %mul3A_61 = arith.constant 4 : i32
      %mul3A_62 = arith.muli %scan3A_60, %mul3A_61 : i32
      %add3A_63 = arith.constant 0 : i32
      %add3A_64 = arith.addi %mul3A_62, %add3A_63 : i32
      %dma_wait3A_65 = arith.constant 0 : i32
      %dma_wait3A_66 = arith.constant 0 : i32
      %dma_wait3A_67 = arith.constant 0 : i32
      %dma_wait3A_68 = tpu.memref_slice %arg10[%dma_wait3A_65, %dma_wait3A_66, %dma_wait3A_67] : memref<4x128x16xf32, #tpu.memory_space<vmem>> -> memref<1x128x16xf32, #tpu.memory_space<vmem>>
      %dma_wait3A_69 = tpu.memref_squeeze %dma_wait3A_68 : memref<1x128x16xf32, #tpu.memory_space<vmem>> -> memref<128x16xf32, #tpu.memory_space<vmem>>
      %dma_wait3A_70 = arith.constant 0 : i32
      %dma_wait3A_71 = tpu.memref_slice %arg8[%add3A_64, %dma_wait3A_70] : memref<80x128xi32, #tpu.memory_space<vmem>> -> memref<1x128xi32, #tpu.memory_space<vmem>>
      %dma_wait3A_72 = tpu.memref_squeeze %dma_wait3A_71 : memref<1x128xi32, #tpu.memory_space<vmem>> -> memref<128xi32, #tpu.memory_space<vmem>>
      %dma_wait3A_73 = arith.constant 0 : i32
      %dma_wait3A_74 = arith.constant 0 : i32
      %dma_wait3A_75 = tpu.memref_slice %arg7[%dma_wait3A_73, %dma_wait3A_74] : memref<10240x16xf32, #tpu.memory_space<vmem_shared>> -> memref<10240x16xf32, #tpu.memory_space<vmem_shared>>
      tpu.wait_indirect_dma semaphore(%arg11 : memref<!tpu.dma_semaphore, #tpu.memory_space<semaphore_mem>>) src(%dma_wait3A_75 : memref<10240x16xf32, #tpu.memory_space<vmem_shared>>) dst(%dma_wait3A_69 : memref<128x16xf32, #tpu.memory_space<vmem>>)
      %dma_start3A_76 = arith.constant 0 : i32
      %dma_start3A_77 = arith.constant 0 : i32
      %dma_start3A_78 = arith.constant 0 : i32
      %dma_start3A_79 = tpu.memref_slice %arg10[%dma_start3A_76, %dma_start3A_77, %dma_start3A_78] : memref<4x128x16xf32, #tpu.memory_space<vmem>> -> memref<1x128x16xf32, #tpu.memory_space<vmem>>
      %dma_start3A_80 = tpu.memref_squeeze %dma_start3A_79 : memref<1x128x16xf32, #tpu.memory_space<vmem>> -> memref<128x16xf32, #tpu.memory_space<vmem>>
      %dma_start3A_81 = arith.constant 0 : i32
      %dma_start3A_82 = tpu.memref_slice %arg9[%add3A_64, %dma_start3A_81] : memref<80x128xi32, #tpu.memory_space<vmem>> -> memref<1x128xi32, #tpu.memory_space<vmem>>
      %dma_start3A_83 = tpu.memref_squeeze %dma_start3A_82 : memref<1x128xi32, #tpu.memory_space<vmem>> -> memref<128xi32, #tpu.memory_space<vmem>>
      %dma_start3A_84 = arith.constant 0 : i32
      %dma_start3A_85 = arith.constant 0 : i32
      %dma_start3A_86 = tpu.memref_slice %arg6[%dma_start3A_84, %dma_start3A_85] : memref<10240x16xf32, #tpu.memory_space<vmem_shared>> -> memref<10240x16xf32, #tpu.memory_space<vmem_shared>>
      tpu.enqueue_indirect_dma source(%dma_start3A_80 : memref<128x16xf32, #tpu.memory_space<vmem>>) target(%dma_start3A_86 : memref<10240x16xf32, #tpu.memory_space<vmem_shared>>) offsets(%dma_start3A_83 : memref<128xi32, #tpu.memory_space<vmem>>) semaphore(%arg12 : memref<!tpu.dma_semaphore, #tpu.memory_space<semaphore_mem>>) {add = true}
      %ge3A = arith.constant 1 : i32
      %ge3A_87 = arith.cmpi sge, %add3A_64, %ge3A : i32
      %convert_element_type3A = arith.extui %ge3A_87 : i1 to i32
      %cond3A = arith.constant 0 : i32
      %cond3A_88 = arith.cmpi ne, %convert_element_type3A, %cond3A : i32
      scf.if %cond3A_88 {
        %sub3A = arith.constant 1 : i32
        %sub3A_203 = arith.subi %add3A_64, %sub3A : i32
        %dma_wait3A_204 = arith.constant 3 : i32
        %dma_wait3A_205 = arith.constant 0 : i32
        %dma_wait3A_206 = arith.constant 0 : i32
        %dma_wait3A_207 = tpu.memref_slice %arg10[%dma_wait3A_204, %dma_wait3A_205, %dma_wait3A_206] : memref<4x128x16xf32, #tpu.memory_space<vmem>> -> memref<1x128x16xf32, #tpu.memory_space<vmem>>
        %dma_wait3A_208 = tpu.memref_squeeze %dma_wait3A_207 : memref<1x128x16xf32, #tpu.memory_space<vmem>> -> memref<128x16xf32, #tpu.memory_space<vmem>>
        %dma_wait3A_209 = arith.constant 0 : i32
        %dma_wait3A_210 = tpu.memref_slice %arg9[%sub3A_203, %dma_wait3A_209] : memref<80x128xi32, #tpu.memory_space<vmem>> -> memref<1x128xi32, #tpu.memory_space<vmem>>
        %dma_wait3A_211 = tpu.memref_squeeze %dma_wait3A_210 : memref<1x128xi32, #tpu.memory_space<vmem>> -> memref<128xi32, #tpu.memory_space<vmem>>
        %dma_wait3A_212 = arith.constant 0 : i32
        %dma_wait3A_213 = arith.constant 0 : i32
        %dma_wait3A_214 = tpu.memref_slice %arg6[%dma_wait3A_212, %dma_wait3A_213] : memref<10240x16xf32, #tpu.memory_space<vmem_shared>> -> memref<10240x16xf32, #tpu.memory_space<vmem_shared>>
        tpu.wait_indirect_dma semaphore(%arg12 : memref<!tpu.dma_semaphore, #tpu.memory_space<semaphore_mem>>) src(%dma_wait3A_208 : memref<128x16xf32, #tpu.memory_space<vmem>>) dst(%dma_wait3A_214 : memref<10240x16xf32, #tpu.memory_space<vmem_shared>>)
      } else {
      }
      %add3A_89 = arith.constant 3 : i32
      %add3A_90 = arith.addi %add3A_64, %add3A_89 : i32
      %lt3A = arith.constant 80 : i32
      %lt3A_91 = arith.cmpi slt, %add3A_90, %lt3A : i32
      %convert_element_type3A_92 = arith.extui %lt3A_91 : i1 to i32
      %cond3A_93 = arith.constant 0 : i32
      %cond3A_94 = arith.cmpi ne, %convert_element_type3A_92, %cond3A_93 : i32
      scf.if %cond3A_94 {
        %add3A_203 = arith.constant 3 : i32
        %add3A_204 = arith.addi %add3A_64, %add3A_203 : i32
        %dma_start3A_205 = arith.constant 3 : i32
        %dma_start3A_206 = arith.constant 0 : i32
        %dma_start3A_207 = arith.constant 0 : i32
        %dma_start3A_208 = tpu.memref_slice %arg10[%dma_start3A_205, %dma_start3A_206, %dma_start3A_207] : memref<4x128x16xf32, #tpu.memory_space<vmem>> -> memref<1x128x16xf32, #tpu.memory_space<vmem>>
        %dma_start3A_209 = tpu.memref_squeeze %dma_start3A_208 : memref<1x128x16xf32, #tpu.memory_space<vmem>> -> memref<128x16xf32, #tpu.memory_space<vmem>>
        %dma_start3A_210 = arith.constant 0 : i32
        %dma_start3A_211 = tpu.memref_slice %arg8[%add3A_204, %dma_start3A_210] : memref<80x128xi32, #tpu.memory_space<vmem>> -> memref<1x128xi32, #tpu.memory_space<vmem>>
        %dma_start3A_212 = tpu.memref_squeeze %dma_start3A_211 : memref<1x128xi32, #tpu.memory_space<vmem>> -> memref<128xi32, #tpu.memory_space<vmem>>
        %dma_start3A_213 = arith.constant 0 : i32
        %dma_start3A_214 = arith.constant 0 : i32
        %dma_start3A_215 = tpu.memref_slice %arg7[%dma_start3A_213, %dma_start3A_214] : memref<10240x16xf32, #tpu.memory_space<vmem_shared>> -> memref<10240x16xf32, #tpu.memory_space<vmem_shared>>
        tpu.enqueue_indirect_dma source(%dma_start3A_215 : memref<10240x16xf32, #tpu.memory_space<vmem_shared>>) target(%dma_start3A_209 : memref<128x16xf32, #tpu.memory_space<vmem>>) offsets(%dma_start3A_212 : memref<128xi32, #tpu.memory_space<vmem>>) semaphore(%arg11 : memref<!tpu.dma_semaphore, #tpu.memory_space<semaphore_mem>>)
      } else {
      }
      %add3A_95 = arith.constant 1 : i32
      %add3A_96 = arith.addi %mul3A_62, %add3A_95 : i32
      %dma_wait3A_97 = arith.constant 1 : i32
      %dma_wait3A_98 = arith.constant 0 : i32
      %dma_wait3A_99 = arith.constant 0 : i32
      %dma_wait3A_100 = tpu.memref_slice %arg10[%dma_wait3A_97, %dma_wait3A_98, %dma_wait3A_99] : memref<4x128x16xf32, #tpu.memory_space<vmem>> -> memref<1x128x16xf32, #tpu.memory_space<vmem>>
      %dma_wait3A_101 = tpu.memref_squeeze %dma_wait3A_100 : memref<1x128x16xf32, #tpu.memory_space<vmem>> -> memref<128x16xf32, #tpu.memory_space<vmem>>
      %dma_wait3A_102 = arith.constant 0 : i32
      %dma_wait3A_103 = tpu.memref_slice %arg8[%add3A_96, %dma_wait3A_102] : memref<80x128xi32, #tpu.memory_space<vmem>> -> memref<1x128xi32, #tpu.memory_space<vmem>>
      %dma_wait3A_104 = tpu.memref_squeeze %dma_wait3A_103 : memref<1x128xi32, #tpu.memory_space<vmem>> -> memref<128xi32, #tpu.memory_space<vmem>>
      %dma_wait3A_105 = arith.constant 0 : i32
      %dma_wait3A_106 = arith.constant 0 : i32
      %dma_wait3A_107 = tpu.memref_slice %arg7[%dma_wait3A_105, %dma_wait3A_106] : memref<10240x16xf32, #tpu.memory_space<vmem_shared>> -> memref<10240x16xf32, #tpu.memory_space<vmem_shared>>
      tpu.wait_indirect_dma semaphore(%arg11 : memref<!tpu.dma_semaphore, #tpu.memory_space<semaphore_mem>>) src(%dma_wait3A_107 : memref<10240x16xf32, #tpu.memory_space<vmem_shared>>) dst(%dma_wait3A_101 : memref<128x16xf32, #tpu.memory_space<vmem>>)
      %dma_start3A_108 = arith.constant 1 : i32
      %dma_start3A_109 = arith.constant 0 : i32
      %dma_start3A_110 = arith.constant 0 : i32
      %dma_start3A_111 = tpu.memref_slice %arg10[%dma_start3A_108, %dma_start3A_109, %dma_start3A_110] : memref<4x128x16xf32, #tpu.memory_space<vmem>> -> memref<1x128x16xf32, #tpu.memory_space<vmem>>
      %dma_start3A_112 = tpu.memref_squeeze %dma_start3A_111 : memref<1x128x16xf32, #tpu.memory_space<vmem>> -> memref<128x16xf32, #tpu.memory_space<vmem>>
      %dma_start3A_113 = arith.constant 0 : i32
      %dma_start3A_114 = tpu.memref_slice %arg9[%add3A_96, %dma_start3A_113] : memref<80x128xi32, #tpu.memory_space<vmem>> -> memref<1x128xi32, #tpu.memory_space<vmem>>
      %dma_start3A_115 = tpu.memref_squeeze %dma_start3A_114 : memref<1x128xi32, #tpu.memory_space<vmem>> -> memref<128xi32, #tpu.memory_space<vmem>>
      %dma_start3A_116 = arith.constant 0 : i32
      %dma_start3A_117 = arith.constant 0 : i32
      %dma_start3A_118 = tpu.memref_slice %arg6[%dma_start3A_116, %dma_start3A_117] : memref<10240x16xf32, #tpu.memory_space<vmem_shared>> -> memref<10240x16xf32, #tpu.memory_space<vmem_shared>>
      tpu.enqueue_indirect_dma source(%dma_start3A_112 : memref<128x16xf32, #tpu.memory_space<vmem>>) target(%dma_start3A_118 : memref<10240x16xf32, #tpu.memory_space<vmem_shared>>) offsets(%dma_start3A_115 : memref<128xi32, #tpu.memory_space<vmem>>) semaphore(%arg12 : memref<!tpu.dma_semaphore, #tpu.memory_space<semaphore_mem>>) {add = true}
      %ge3A_119 = arith.constant 1 : i32
      %ge3A_120 = arith.cmpi sge, %add3A_96, %ge3A_119 : i32
      %convert_element_type3A_121 = arith.extui %ge3A_120 : i1 to i32
      %cond3A_122 = arith.constant 0 : i32
      %cond3A_123 = arith.cmpi ne, %convert_element_type3A_121, %cond3A_122 : i32
      scf.if %cond3A_123 {
        %sub3A = arith.constant 1 : i32
        %sub3A_203 = arith.subi %add3A_96, %sub3A : i32
        %dma_wait3A_204 = arith.constant 0 : i32
        %dma_wait3A_205 = arith.constant 0 : i32
        %dma_wait3A_206 = arith.constant 0 : i32
        %dma_wait3A_207 = tpu.memref_slice %arg10[%dma_wait3A_204, %dma_wait3A_205, %dma_wait3A_206] : memref<4x128x16xf32, #tpu.memory_space<vmem>> -> memref<1x128x16xf32, #tpu.memory_space<vmem>>
        %dma_wait3A_208 = tpu.memref_squeeze %dma_wait3A_207 : memref<1x128x16xf32, #tpu.memory_space<vmem>> -> memref<128x16xf32, #tpu.memory_space<vmem>>
        %dma_wait3A_209 = arith.constant 0 : i32
        %dma_wait3A_210 = tpu.memref_slice %arg9[%sub3A_203, %dma_wait3A_209] : memref<80x128xi32, #tpu.memory_space<vmem>> -> memref<1x128xi32, #tpu.memory_space<vmem>>
        %dma_wait3A_211 = tpu.memref_squeeze %dma_wait3A_210 : memref<1x128xi32, #tpu.memory_space<vmem>> -> memref<128xi32, #tpu.memory_space<vmem>>
        %dma_wait3A_212 = arith.constant 0 : i32
        %dma_wait3A_213 = arith.constant 0 : i32
        %dma_wait3A_214 = tpu.memref_slice %arg6[%dma_wait3A_212, %dma_wait3A_213] : memref<10240x16xf32, #tpu.memory_space<vmem_shared>> -> memref<10240x16xf32, #tpu.memory_space<vmem_shared>>
        tpu.wait_indirect_dma semaphore(%arg12 : memref<!tpu.dma_semaphore, #tpu.memory_space<semaphore_mem>>) src(%dma_wait3A_208 : memref<128x16xf32, #tpu.memory_space<vmem>>) dst(%dma_wait3A_214 : memref<10240x16xf32, #tpu.memory_space<vmem_shared>>)
      } else {
      }
      %add3A_124 = arith.constant 3 : i32
      %add3A_125 = arith.addi %add3A_96, %add3A_124 : i32
      %lt3A_126 = arith.constant 80 : i32
      %lt3A_127 = arith.cmpi slt, %add3A_125, %lt3A_126 : i32
      %convert_element_type3A_128 = arith.extui %lt3A_127 : i1 to i32
      %cond3A_129 = arith.constant 0 : i32
      %cond3A_130 = arith.cmpi ne, %convert_element_type3A_128, %cond3A_129 : i32
      scf.if %cond3A_130 {
        %add3A_203 = arith.constant 3 : i32
        %add3A_204 = arith.addi %add3A_96, %add3A_203 : i32
        %dma_start3A_205 = arith.constant 0 : i32
        %dma_start3A_206 = arith.constant 0 : i32
        %dma_start3A_207 = arith.constant 0 : i32
        %dma_start3A_208 = tpu.memref_slice %arg10[%dma_start3A_205, %dma_start3A_206, %dma_start3A_207] : memref<4x128x16xf32, #tpu.memory_space<vmem>> -> memref<1x128x16xf32, #tpu.memory_space<vmem>>
        %dma_start3A_209 = tpu.memref_squeeze %dma_start3A_208 : memref<1x128x16xf32, #tpu.memory_space<vmem>> -> memref<128x16xf32, #tpu.memory_space<vmem>>
        %dma_start3A_210 = arith.constant 0 : i32
        %dma_start3A_211 = tpu.memref_slice %arg8[%add3A_204, %dma_start3A_210] : memref<80x128xi32, #tpu.memory_space<vmem>> -> memref<1x128xi32, #tpu.memory_space<vmem>>
        %dma_start3A_212 = tpu.memref_squeeze %dma_start3A_211 : memref<1x128xi32, #tpu.memory_space<vmem>> -> memref<128xi32, #tpu.memory_space<vmem>>
        %dma_start3A_213 = arith.constant 0 : i32
        %dma_start3A_214 = arith.constant 0 : i32
        %dma_start3A_215 = tpu.memref_slice %arg7[%dma_start3A_213, %dma_start3A_214] : memref<10240x16xf32, #tpu.memory_space<vmem_shared>> -> memref<10240x16xf32, #tpu.memory_space<vmem_shared>>
        tpu.enqueue_indirect_dma source(%dma_start3A_215 : memref<10240x16xf32, #tpu.memory_space<vmem_shared>>) target(%dma_start3A_209 : memref<128x16xf32, #tpu.memory_space<vmem>>) offsets(%dma_start3A_212 : memref<128xi32, #tpu.memory_space<vmem>>) semaphore(%arg11 : memref<!tpu.dma_semaphore, #tpu.memory_space<semaphore_mem>>)
      } else {
      }
      %add3A_131 = arith.constant 2 : i32
      %add3A_132 = arith.addi %mul3A_62, %add3A_131 : i32
      %dma_wait3A_133 = arith.constant 2 : i32
      %dma_wait3A_134 = arith.constant 0 : i32
      %dma_wait3A_135 = arith.constant 0 : i32
      %dma_wait3A_136 = tpu.memref_slice %arg10[%dma_wait3A_133, %dma_wait3A_134, %dma_wait3A_135] : memref<4x128x16xf32, #tpu.memory_space<vmem>> -> memref<1x128x16xf32, #tpu.memory_space<vmem>>
      %dma_wait3A_137 = tpu.memref_squeeze %dma_wait3A_136 : memref<1x128x16xf32, #tpu.memory_space<vmem>> -> memref<128x16xf32, #tpu.memory_space<vmem>>
      %dma_wait3A_138 = arith.constant 0 : i32
      %dma_wait3A_139 = tpu.memref_slice %arg8[%add3A_132, %dma_wait3A_138] : memref<80x128xi32, #tpu.memory_space<vmem>> -> memref<1x128xi32, #tpu.memory_space<vmem>>
      %dma_wait3A_140 = tpu.memref_squeeze %dma_wait3A_139 : memref<1x128xi32, #tpu.memory_space<vmem>> -> memref<128xi32, #tpu.memory_space<vmem>>
      %dma_wait3A_141 = arith.constant 0 : i32
      %dma_wait3A_142 = arith.constant 0 : i32
      %dma_wait3A_143 = tpu.memref_slice %arg7[%dma_wait3A_141, %dma_wait3A_142] : memref<10240x16xf32, #tpu.memory_space<vmem_shared>> -> memref<10240x16xf32, #tpu.memory_space<vmem_shared>>
      tpu.wait_indirect_dma semaphore(%arg11 : memref<!tpu.dma_semaphore, #tpu.memory_space<semaphore_mem>>) src(%dma_wait3A_143 : memref<10240x16xf32, #tpu.memory_space<vmem_shared>>) dst(%dma_wait3A_137 : memref<128x16xf32, #tpu.memory_space<vmem>>)
      %dma_start3A_144 = arith.constant 2 : i32
      %dma_start3A_145 = arith.constant 0 : i32
      %dma_start3A_146 = arith.constant 0 : i32
      %dma_start3A_147 = tpu.memref_slice %arg10[%dma_start3A_144, %dma_start3A_145, %dma_start3A_146] : memref<4x128x16xf32, #tpu.memory_space<vmem>> -> memref<1x128x16xf32, #tpu.memory_space<vmem>>
      %dma_start3A_148 = tpu.memref_squeeze %dma_start3A_147 : memref<1x128x16xf32, #tpu.memory_space<vmem>> -> memref<128x16xf32, #tpu.memory_space<vmem>>
      %dma_start3A_149 = arith.constant 0 : i32
      %dma_start3A_150 = tpu.memref_slice %arg9[%add3A_132, %dma_start3A_149] : memref<80x128xi32, #tpu.memory_space<vmem>> -> memref<1x128xi32, #tpu.memory_space<vmem>>
      %dma_start3A_151 = tpu.memref_squeeze %dma_start3A_150 : memref<1x128xi32, #tpu.memory_space<vmem>> -> memref<128xi32, #tpu.memory_space<vmem>>
      %dma_start3A_152 = arith.constant 0 : i32
      %dma_start3A_153 = arith.constant 0 : i32
      %dma_start3A_154 = tpu.memref_slice %arg6[%dma_start3A_152, %dma_start3A_153] : memref<10240x16xf32, #tpu.memory_space<vmem_shared>> -> memref<10240x16xf32, #tpu.memory_space<vmem_shared>>
      tpu.enqueue_indirect_dma source(%dma_start3A_148 : memref<128x16xf32, #tpu.memory_space<vmem>>) target(%dma_start3A_154 : memref<10240x16xf32, #tpu.memory_space<vmem_shared>>) offsets(%dma_start3A_151 : memref<128xi32, #tpu.memory_space<vmem>>) semaphore(%arg12 : memref<!tpu.dma_semaphore, #tpu.memory_space<semaphore_mem>>) {add = true}
      %ge3A_155 = arith.constant 1 : i32
      %ge3A_156 = arith.cmpi sge, %add3A_132, %ge3A_155 : i32
      %convert_element_type3A_157 = arith.extui %ge3A_156 : i1 to i32
      %cond3A_158 = arith.constant 0 : i32
      %cond3A_159 = arith.cmpi ne, %convert_element_type3A_157, %cond3A_158 : i32
      scf.if %cond3A_159 {
        %sub3A = arith.constant 1 : i32
        %sub3A_203 = arith.subi %add3A_132, %sub3A : i32
        %dma_wait3A_204 = arith.constant 1 : i32
        %dma_wait3A_205 = arith.constant 0 : i32
        %dma_wait3A_206 = arith.constant 0 : i32
        %dma_wait3A_207 = tpu.memref_slice %arg10[%dma_wait3A_204, %dma_wait3A_205, %dma_wait3A_206] : memref<4x128x16xf32, #tpu.memory_space<vmem>> -> memref<1x128x16xf32, #tpu.memory_space<vmem>>
        %dma_wait3A_208 = tpu.memref_squeeze %dma_wait3A_207 : memref<1x128x16xf32, #tpu.memory_space<vmem>> -> memref<128x16xf32, #tpu.memory_space<vmem>>
        %dma_wait3A_209 = arith.constant 0 : i32
        %dma_wait3A_210 = tpu.memref_slice %arg9[%sub3A_203, %dma_wait3A_209] : memref<80x128xi32, #tpu.memory_space<vmem>> -> memref<1x128xi32, #tpu.memory_space<vmem>>
        %dma_wait3A_211 = tpu.memref_squeeze %dma_wait3A_210 : memref<1x128xi32, #tpu.memory_space<vmem>> -> memref<128xi32, #tpu.memory_space<vmem>>
        %dma_wait3A_212 = arith.constant 0 : i32
        %dma_wait3A_213 = arith.constant 0 : i32
        %dma_wait3A_214 = tpu.memref_slice %arg6[%dma_wait3A_212, %dma_wait3A_213] : memref<10240x16xf32, #tpu.memory_space<vmem_shared>> -> memref<10240x16xf32, #tpu.memory_space<vmem_shared>>
        tpu.wait_indirect_dma semaphore(%arg12 : memref<!tpu.dma_semaphore, #tpu.memory_space<semaphore_mem>>) src(%dma_wait3A_208 : memref<128x16xf32, #tpu.memory_space<vmem>>) dst(%dma_wait3A_214 : memref<10240x16xf32, #tpu.memory_space<vmem_shared>>)
      } else {
      }
      %add3A_160 = arith.constant 3 : i32
      %add3A_161 = arith.addi %add3A_132, %add3A_160 : i32
      %lt3A_162 = arith.constant 80 : i32
      %lt3A_163 = arith.cmpi slt, %add3A_161, %lt3A_162 : i32
      %convert_element_type3A_164 = arith.extui %lt3A_163 : i1 to i32
      %cond3A_165 = arith.constant 0 : i32
      %cond3A_166 = arith.cmpi ne, %convert_element_type3A_164, %cond3A_165 : i32
      scf.if %cond3A_166 {
        %add3A_203 = arith.constant 3 : i32
        %add3A_204 = arith.addi %add3A_132, %add3A_203 : i32
        %dma_start3A_205 = arith.constant 1 : i32
        %dma_start3A_206 = arith.constant 0 : i32
        %dma_start3A_207 = arith.constant 0 : i32
        %dma_start3A_208 = tpu.memref_slice %arg10[%dma_start3A_205, %dma_start3A_206, %dma_start3A_207] : memref<4x128x16xf32, #tpu.memory_space<vmem>> -> memref<1x128x16xf32, #tpu.memory_space<vmem>>
        %dma_start3A_209 = tpu.memref_squeeze %dma_start3A_208 : memref<1x128x16xf32, #tpu.memory_space<vmem>> -> memref<128x16xf32, #tpu.memory_space<vmem>>
        %dma_start3A_210 = arith.constant 0 : i32
        %dma_start3A_211 = tpu.memref_slice %arg8[%add3A_204, %dma_start3A_210] : memref<80x128xi32, #tpu.memory_space<vmem>> -> memref<1x128xi32, #tpu.memory_space<vmem>>
        %dma_start3A_212 = tpu.memref_squeeze %dma_start3A_211 : memref<1x128xi32, #tpu.memory_space<vmem>> -> memref<128xi32, #tpu.memory_space<vmem>>
        %dma_start3A_213 = arith.constant 0 : i32
        %dma_start3A_214 = arith.constant 0 : i32
        %dma_start3A_215 = tpu.memref_slice %arg7[%dma_start3A_213, %dma_start3A_214] : memref<10240x16xf32, #tpu.memory_space<vmem_shared>> -> memref<10240x16xf32, #tpu.memory_space<vmem_shared>>
        tpu.enqueue_indirect_dma source(%dma_start3A_215 : memref<10240x16xf32, #tpu.memory_space<vmem_shared>>) target(%dma_start3A_209 : memref<128x16xf32, #tpu.memory_space<vmem>>) offsets(%dma_start3A_212 : memref<128xi32, #tpu.memory_space<vmem>>) semaphore(%arg11 : memref<!tpu.dma_semaphore, #tpu.memory_space<semaphore_mem>>)
      } else {
      }
      %add3A_167 = arith.constant 3 : i32
      %add3A_168 = arith.addi %mul3A_62, %add3A_167 : i32
      %dma_wait3A_169 = arith.constant 3 : i32
      %dma_wait3A_170 = arith.constant 0 : i32
      %dma_wait3A_171 = arith.constant 0 : i32
      %dma_wait3A_172 = tpu.memref_slice %arg10[%dma_wait3A_169, %dma_wait3A_170, %dma_wait3A_171] : memref<4x128x16xf32, #tpu.memory_space<vmem>> -> memref<1x128x16xf32, #tpu.memory_space<vmem>>
      %dma_wait3A_173 = tpu.memref_squeeze %dma_wait3A_172 : memref<1x128x16xf32, #tpu.memory_space<vmem>> -> memref<128x16xf32, #tpu.memory_space<vmem>>
      %dma_wait3A_174 = arith.constant 0 : i32
      %dma_wait3A_175 = tpu.memref_slice %arg8[%add3A_168, %dma_wait3A_174] : memref<80x128xi32, #tpu.memory_space<vmem>> -> memref<1x128xi32, #tpu.memory_space<vmem>>
      %dma_wait3A_176 = tpu.memref_squeeze %dma_wait3A_175 : memref<1x128xi32, #tpu.memory_space<vmem>> -> memref<128xi32, #tpu.memory_space<vmem>>
      %dma_wait3A_177 = arith.constant 0 : i32
      %dma_wait3A_178 = arith.constant 0 : i32
      %dma_wait3A_179 = tpu.memref_slice %arg7[%dma_wait3A_177, %dma_wait3A_178] : memref<10240x16xf32, #tpu.memory_space<vmem_shared>> -> memref<10240x16xf32, #tpu.memory_space<vmem_shared>>
      tpu.wait_indirect_dma semaphore(%arg11 : memref<!tpu.dma_semaphore, #tpu.memory_space<semaphore_mem>>) src(%dma_wait3A_179 : memref<10240x16xf32, #tpu.memory_space<vmem_shared>>) dst(%dma_wait3A_173 : memref<128x16xf32, #tpu.memory_space<vmem>>)
      %dma_start3A_180 = arith.constant 3 : i32
      %dma_start3A_181 = arith.constant 0 : i32
      %dma_start3A_182 = arith.constant 0 : i32
      %dma_start3A_183 = tpu.memref_slice %arg10[%dma_start3A_180, %dma_start3A_181, %dma_start3A_182] : memref<4x128x16xf32, #tpu.memory_space<vmem>> -> memref<1x128x16xf32, #tpu.memory_space<vmem>>
      %dma_start3A_184 = tpu.memref_squeeze %dma_start3A_183 : memref<1x128x16xf32, #tpu.memory_space<vmem>> -> memref<128x16xf32, #tpu.memory_space<vmem>>
      %dma_start3A_185 = arith.constant 0 : i32
      %dma_start3A_186 = tpu.memref_slice %arg9[%add3A_168, %dma_start3A_185] : memref<80x128xi32, #tpu.memory_space<vmem>> -> memref<1x128xi32, #tpu.memory_space<vmem>>
      %dma_start3A_187 = tpu.memref_squeeze %dma_start3A_186 : memref<1x128xi32, #tpu.memory_space<vmem>> -> memref<128xi32, #tpu.memory_space<vmem>>
      %dma_start3A_188 = arith.constant 0 : i32
      %dma_start3A_189 = arith.constant 0 : i32
      %dma_start3A_190 = tpu.memref_slice %arg6[%dma_start3A_188, %dma_start3A_189] : memref<10240x16xf32, #tpu.memory_space<vmem_shared>> -> memref<10240x16xf32, #tpu.memory_space<vmem_shared>>
      tpu.enqueue_indirect_dma source(%dma_start3A_184 : memref<128x16xf32, #tpu.memory_space<vmem>>) target(%dma_start3A_190 : memref<10240x16xf32, #tpu.memory_space<vmem_shared>>) offsets(%dma_start3A_187 : memref<128xi32, #tpu.memory_space<vmem>>) semaphore(%arg12 : memref<!tpu.dma_semaphore, #tpu.memory_space<semaphore_mem>>) {add = true}
      %ge3A_191 = arith.constant 1 : i32
      %ge3A_192 = arith.cmpi sge, %add3A_168, %ge3A_191 : i32
      %convert_element_type3A_193 = arith.extui %ge3A_192 : i1 to i32
      %cond3A_194 = arith.constant 0 : i32
      %cond3A_195 = arith.cmpi ne, %convert_element_type3A_193, %cond3A_194 : i32
      scf.if %cond3A_195 {
        %sub3A = arith.constant 1 : i32
        %sub3A_203 = arith.subi %add3A_168, %sub3A : i32
        %dma_wait3A_204 = arith.constant 2 : i32
        %dma_wait3A_205 = arith.constant 0 : i32
        %dma_wait3A_206 = arith.constant 0 : i32
        %dma_wait3A_207 = tpu.memref_slice %arg10[%dma_wait3A_204, %dma_wait3A_205, %dma_wait3A_206] : memref<4x128x16xf32, #tpu.memory_space<vmem>> -> memref<1x128x16xf32, #tpu.memory_space<vmem>>
        %dma_wait3A_208 = tpu.memref_squeeze %dma_wait3A_207 : memref<1x128x16xf32, #tpu.memory_space<vmem>> -> memref<128x16xf32, #tpu.memory_space<vmem>>
        %dma_wait3A_209 = arith.constant 0 : i32
        %dma_wait3A_210 = tpu.memref_slice %arg9[%sub3A_203, %dma_wait3A_209] : memref<80x128xi32, #tpu.memory_space<vmem>> -> memref<1x128xi32, #tpu.memory_space<vmem>>
        %dma_wait3A_211 = tpu.memref_squeeze %dma_wait3A_210 : memref<1x128xi32, #tpu.memory_space<vmem>> -> memref<128xi32, #tpu.memory_space<vmem>>
        %dma_wait3A_212 = arith.constant 0 : i32
        %dma_wait3A_213 = arith.constant 0 : i32
        %dma_wait3A_214 = tpu.memref_slice %arg6[%dma_wait3A_212, %dma_wait3A_213] : memref<10240x16xf32, #tpu.memory_space<vmem_shared>> -> memref<10240x16xf32, #tpu.memory_space<vmem_shared>>
        tpu.wait_indirect_dma semaphore(%arg12 : memref<!tpu.dma_semaphore, #tpu.memory_space<semaphore_mem>>) src(%dma_wait3A_208 : memref<128x16xf32, #tpu.memory_space<vmem>>) dst(%dma_wait3A_214 : memref<10240x16xf32, #tpu.memory_space<vmem_shared>>)
      } else {
      }
      %add3A_196 = arith.constant 3 : i32
      %add3A_197 = arith.addi %add3A_168, %add3A_196 : i32
      %lt3A_198 = arith.constant 80 : i32
      %lt3A_199 = arith.cmpi slt, %add3A_197, %lt3A_198 : i32
      %convert_element_type3A_200 = arith.extui %lt3A_199 : i1 to i32
      %cond3A_201 = arith.constant 0 : i32
      %cond3A_202 = arith.cmpi ne, %convert_element_type3A_200, %cond3A_201 : i32
      scf.if %cond3A_202 {
        %add3A_203 = arith.constant 3 : i32
        %add3A_204 = arith.addi %add3A_168, %add3A_203 : i32
        %dma_start3A_205 = arith.constant 2 : i32
        %dma_start3A_206 = arith.constant 0 : i32
        %dma_start3A_207 = arith.constant 0 : i32
        %dma_start3A_208 = tpu.memref_slice %arg10[%dma_start3A_205, %dma_start3A_206, %dma_start3A_207] : memref<4x128x16xf32, #tpu.memory_space<vmem>> -> memref<1x128x16xf32, #tpu.memory_space<vmem>>
        %dma_start3A_209 = tpu.memref_squeeze %dma_start3A_208 : memref<1x128x16xf32, #tpu.memory_space<vmem>> -> memref<128x16xf32, #tpu.memory_space<vmem>>
        %dma_start3A_210 = arith.constant 0 : i32
        %dma_start3A_211 = tpu.memref_slice %arg8[%add3A_204, %dma_start3A_210] : memref<80x128xi32, #tpu.memory_space<vmem>> -> memref<1x128xi32, #tpu.memory_space<vmem>>
        %dma_start3A_212 = tpu.memref_squeeze %dma_start3A_211 : memref<1x128xi32, #tpu.memory_space<vmem>> -> memref<128xi32, #tpu.memory_space<vmem>>
        %dma_start3A_213 = arith.constant 0 : i32
        %dma_start3A_214 = arith.constant 0 : i32
        %dma_start3A_215 = tpu.memref_slice %arg7[%dma_start3A_213, %dma_start3A_214] : memref<10240x16xf32, #tpu.memory_space<vmem_shared>> -> memref<10240x16xf32, #tpu.memory_space<vmem_shared>>
        tpu.enqueue_indirect_dma source(%dma_start3A_215 : memref<10240x16xf32, #tpu.memory_space<vmem_shared>>) target(%dma_start3A_209 : memref<128x16xf32, #tpu.memory_space<vmem>>) offsets(%dma_start3A_212 : memref<128xi32, #tpu.memory_space<vmem>>) semaphore(%arg11 : memref<!tpu.dma_semaphore, #tpu.memory_space<semaphore_mem>>)
      } else {
      }
    }
    %scan3A_47 = arith.constant 20 : i32
    %dma_wait3A = arith.constant 3 : i32
    %dma_wait3A_48 = arith.constant 79 : i32
    %dma_wait3A_49 = arith.constant 0 : i32
    %dma_wait3A_50 = arith.constant 0 : i32
    %dma_wait3A_51 = tpu.memref_slice %arg10[%dma_wait3A, %dma_wait3A_49, %dma_wait3A_50] : memref<4x128x16xf32, #tpu.memory_space<vmem>> -> memref<1x128x16xf32, #tpu.memory_space<vmem>>
    %dma_wait3A_52 = tpu.memref_squeeze %dma_wait3A_51 : memref<1x128x16xf32, #tpu.memory_space<vmem>> -> memref<128x16xf32, #tpu.memory_space<vmem>>
    %dma_wait3A_53 = arith.constant 0 : i32
    %dma_wait3A_54 = tpu.memref_slice %arg9[%dma_wait3A_48, %dma_wait3A_53] : memref<80x128xi32, #tpu.memory_space<vmem>> -> memref<1x128xi32, #tpu.memory_space<vmem>>
    %dma_wait3A_55 = tpu.memref_squeeze %dma_wait3A_54 : memref<1x128xi32, #tpu.memory_space<vmem>> -> memref<128xi32, #tpu.memory_space<vmem>>
    %dma_wait3A_56 = arith.constant 0 : i32
    %dma_wait3A_57 = arith.constant 0 : i32
    %dma_wait3A_58 = tpu.memref_slice %arg6[%dma_wait3A_56, %dma_wait3A_57] : memref<10240x16xf32, #tpu.memory_space<vmem_shared>> -> memref<10240x16xf32, #tpu.memory_space<vmem_shared>>
    tpu.wait_indirect_dma semaphore(%arg12 : memref<!tpu.dma_semaphore, #tpu.memory_space<semaphore_mem>>) src(%dma_wait3A_52 : memref<128x16xf32, #tpu.memory_space<vmem>>) dst(%dma_wait3A_58 : memref<10240x16xf32, #tpu.memory_space<vmem_shared>>)
    %barrier3A_59 = arith.constant 0 : index
    tpu.barrier barrier_id(%barrier3A_59)
    "tpu.region"() ({
      %run_scoped3A_60 = tpu.sem_alloc : memref<!tpu.dma_semaphore, #tpu.memory_space<semaphore_mem>>
      %dma_start3A_61 = arith.constant 0 : i32
      %dma_start3A_62 = tpu.memref_slice %arg5[%arg0, %mul3A_2, %dma_start3A_61] : memref<2x10240x16xf32, #tpu.memory_space<hbm>> -> memref<1x640x16xf32, #tpu.memory_space<hbm>>
      %dma_start3A_63 = tpu.memref_squeeze %dma_start3A_62 : memref<1x640x16xf32, #tpu.memory_space<hbm>> -> memref<640x16xf32, #tpu.memory_space<hbm>>
      %dma_start3A_64 = arith.constant 0 : i32
      %dma_start3A_65 = tpu.memref_slice %arg6[%mul3A_2, %dma_start3A_64] : memref<10240x16xf32, #tpu.memory_space<vmem_shared>> -> memref<640x16xf32, #tpu.memory_space<vmem_shared>>
      tpu.enqueue_dma source(%dma_start3A_65 : memref<640x16xf32, #tpu.memory_space<vmem_shared>>) target(%dma_start3A_63 : memref<640x16xf32, #tpu.memory_space<hbm>>) target_semaphore(%run_scoped3A_60 : memref<!tpu.dma_semaphore, #tpu.memory_space<semaphore_mem>>)
      %dma_wait3A_66 = arith.constant 0 : i32
      %dma_wait3A_67 = tpu.memref_slice %arg5[%arg0, %mul3A_2, %dma_wait3A_66] : memref<2x10240x16xf32, #tpu.memory_space<hbm>> -> memref<1x640x16xf32, #tpu.memory_space<hbm>>
      %dma_wait3A_68 = tpu.memref_squeeze %dma_wait3A_67 : memref<1x640x16xf32, #tpu.memory_space<hbm>> -> memref<640x16xf32, #tpu.memory_space<hbm>>
      %dma_wait3A_69 = arith.constant 0 : i32
      %dma_wait3A_70 = tpu.memref_slice %arg6[%mul3A_2, %dma_wait3A_69] : memref<10240x16xf32, #tpu.memory_space<vmem_shared>> -> memref<640x16xf32, #tpu.memory_space<vmem_shared>>
      tpu.wait_dma2 semaphore(%run_scoped3A_60 : memref<!tpu.dma_semaphore, #tpu.memory_space<semaphore_mem>>) src(%dma_wait3A_70 : memref<640x16xf32, #tpu.memory_space<vmem_shared>>) dst(%dma_wait3A_68 : memref<640x16xf32, #tpu.memory_space<hbm>>)
      tpu.yield
    }) : () -> ()
    return
  }
}

#map = affine_map<(d0, d1) -> (0, 0, 0)>
#map1 = affine_map<(d0, d1) -> (0, 0)>
module attributes {stable_mosaic.version = 14 : i64} {
  func.func @deg_kernel(%arg0: i32, %arg1: i32, %arg2: memref<2x2560x128xi32, #tpu.memory_space<hbm>>, %arg3: memref<10240x16xf32, #tpu.memory_space<hbm>>, %arg4: memref<128x16xf32, #tpu.memory_space<hbm>>, %arg5: memref<2x10240x16xf32, #tpu.memory_space<hbm>>, %arg6: memref<10240x16xf32, #tpu.memory_space<vmem_shared>>, %arg7: memref<80x128xi32, #tpu.memory_space<vmem>>, %arg8: memref<128x16xf32, #tpu.memory_space<vmem>>, %arg9: memref<!tpu.dma_semaphore, #tpu.memory_space<semaphore_mem>>) attributes {dimension_semantics = [#tpu.dimension_semantics<core_parallel>, #tpu.dimension_semantics<subcore_parallel>], iteration_bounds = array<i64: 2, 16>, scalar_prefetch = 0 : i64, scratch_operands = 4 : i64, tpu.core_type = #tpu.core_type<sc_vector_subcore>, window_params = [{transform_indices = #map}, {transform_indices = #map1}, {transform_indices = #map1}, {transform_indices = #map}]} {
    %mul3A = arith.constant 2 : i32
    %mul3A_0 = arith.muli %arg1, %mul3A : i32
    %add3A = arith.addi %mul3A_0, %arg0 : i32
    %mul3A_1 = arith.constant 640 : i32
    %mul3A_2 = arith.muli %arg1, %mul3A_1 : i32
    "tpu.region"() ({
      %run_scoped3A_66 = tpu.sem_alloc : memref<!tpu.dma_semaphore, #tpu.memory_space<semaphore_mem>>
      %dma_start3A = arith.constant 0 : i32
      %dma_start3A_67 = tpu.memref_slice %arg6[%mul3A_2, %dma_start3A] : memref<10240x16xf32, #tpu.memory_space<vmem_shared>> -> memref<640x16xf32, #tpu.memory_space<vmem_shared>>
      %dma_start3A_68 = arith.constant 0 : i32
      %dma_start3A_69 = tpu.memref_slice %arg3[%mul3A_2, %dma_start3A_68] : memref<10240x16xf32, #tpu.memory_space<hbm>> -> memref<640x16xf32, #tpu.memory_space<hbm>>
      tpu.enqueue_dma source(%dma_start3A_69 : memref<640x16xf32, #tpu.memory_space<hbm>>) target(%dma_start3A_67 : memref<640x16xf32, #tpu.memory_space<vmem_shared>>) target_semaphore(%run_scoped3A_66 : memref<!tpu.dma_semaphore, #tpu.memory_space<semaphore_mem>>)
      %dma_wait3A_70 = arith.constant 0 : i32
      %dma_wait3A_71 = tpu.memref_slice %arg6[%mul3A_2, %dma_wait3A_70] : memref<10240x16xf32, #tpu.memory_space<vmem_shared>> -> memref<640x16xf32, #tpu.memory_space<vmem_shared>>
      %dma_wait3A_72 = arith.constant 0 : i32
      %dma_wait3A_73 = tpu.memref_slice %arg3[%mul3A_2, %dma_wait3A_72] : memref<10240x16xf32, #tpu.memory_space<hbm>> -> memref<640x16xf32, #tpu.memory_space<hbm>>
      tpu.wait_dma2 semaphore(%run_scoped3A_66 : memref<!tpu.dma_semaphore, #tpu.memory_space<semaphore_mem>>) src(%dma_wait3A_73 : memref<640x16xf32, #tpu.memory_space<hbm>>) dst(%dma_wait3A_71 : memref<640x16xf32, #tpu.memory_space<vmem_shared>>)
      tpu.yield
    }) : () -> ()
    %mul3A_3 = arith.constant 80 : i32
    %mul3A_4 = arith.muli %add3A, %mul3A_3 : i32
    %run_scoped3A = arith.constant 1 : i32
    "tpu.region"() ({
      %run_scoped3A_66 = tpu.sem_alloc : memref<!tpu.dma_semaphore, #tpu.memory_space<semaphore_mem>>
      %dma_start3A = arith.constant 0 : i32
      %dma_start3A_67 = tpu.memref_slice %arg2[%run_scoped3A, %mul3A_4, %dma_start3A] : memref<2x2560x128xi32, #tpu.memory_space<hbm>> -> memref<1x80x128xi32, #tpu.memory_space<hbm>>
      %dma_start3A_68 = tpu.memref_squeeze %dma_start3A_67 : memref<1x80x128xi32, #tpu.memory_space<hbm>> -> memref<80x128xi32, #tpu.memory_space<hbm>>
      %dma_start3A_69 = arith.constant 0 : i32
      %dma_start3A_70 = tpu.memref_slice %arg2[%run_scoped3A, %mul3A_4, %dma_start3A_69] : memref<2x2560x128xi32, #tpu.memory_space<hbm>> -> memref<1x80x128xi32, #tpu.memory_space<hbm>>
      %dma_start3A_71 = tpu.memref_squeeze %dma_start3A_70 : memref<1x80x128xi32, #tpu.memory_space<hbm>> -> memref<80x128xi32, #tpu.memory_space<hbm>>
      tpu.enqueue_dma source(%dma_start3A_71 : memref<80x128xi32, #tpu.memory_space<hbm>>) target(%arg7 : memref<80x128xi32, #tpu.memory_space<vmem>>) target_semaphore(%run_scoped3A_66 : memref<!tpu.dma_semaphore, #tpu.memory_space<semaphore_mem>>)
      %dma_wait3A_72 = arith.constant 0 : i32
      %dma_wait3A_73 = tpu.memref_slice %arg2[%run_scoped3A, %mul3A_4, %dma_wait3A_72] : memref<2x2560x128xi32, #tpu.memory_space<hbm>> -> memref<1x80x128xi32, #tpu.memory_space<hbm>>
      %dma_wait3A_74 = tpu.memref_squeeze %dma_wait3A_73 : memref<1x80x128xi32, #tpu.memory_space<hbm>> -> memref<80x128xi32, #tpu.memory_space<hbm>>
      %dma_wait3A_75 = arith.constant 0 : i32
      %dma_wait3A_76 = tpu.memref_slice %arg2[%run_scoped3A, %mul3A_4, %dma_wait3A_75] : memref<2x2560x128xi32, #tpu.memory_space<hbm>> -> memref<1x80x128xi32, #tpu.memory_space<hbm>>
      %dma_wait3A_77 = tpu.memref_squeeze %dma_wait3A_76 : memref<1x80x128xi32, #tpu.memory_space<hbm>> -> memref<80x128xi32, #tpu.memory_space<hbm>>
      tpu.wait_dma2 semaphore(%run_scoped3A_66 : memref<!tpu.dma_semaphore, #tpu.memory_space<semaphore_mem>>) src(%dma_wait3A_77 : memref<80x128xi32, #tpu.memory_space<hbm>>) dst(%arg7 : memref<80x128xi32, #tpu.memory_space<vmem>>)
      tpu.yield
    }) : () -> ()
    "tpu.region"() ({
      %run_scoped3A_66 = tpu.sem_alloc : memref<!tpu.dma_semaphore, #tpu.memory_space<semaphore_mem>>
      tpu.enqueue_dma source(%arg4 : memref<128x16xf32, #tpu.memory_space<hbm>>) target(%arg8 : memref<128x16xf32, #tpu.memory_space<vmem>>) target_semaphore(%run_scoped3A_66 : memref<!tpu.dma_semaphore, #tpu.memory_space<semaphore_mem>>)
      tpu.wait_dma2 semaphore(%run_scoped3A_66 : memref<!tpu.dma_semaphore, #tpu.memory_space<semaphore_mem>>) src(%arg4 : memref<128x16xf32, #tpu.memory_space<hbm>>) dst(%arg8 : memref<128x16xf32, #tpu.memory_space<vmem>>)
      tpu.yield
    }) : () -> ()
    %barrier3A = arith.constant 0 : index
    tpu.barrier barrier_id(%barrier3A)
    %scan3A = arith.constant 0 : i32
    %scan3A_5 = arith.constant 0 : i32
    %scan3A_6 = arith.constant 80 : i32
    %scan3A_7 = arith.addi %scan3A_5, %scan3A_6 : i32
    %scan3A_8 = arith.constant 1 : i32
    scf.for %scan3A_66 = %scan3A_5 to %scan3A_7 step %scan3A_8  : i32 {
      %dma_start3A = arith.constant 0 : i32
      %dma_start3A_67 = tpu.memref_slice %arg7[%scan3A_66, %dma_start3A] : memref<80x128xi32, #tpu.memory_space<vmem>> -> memref<1x128xi32, #tpu.memory_space<vmem>>
      %dma_start3A_68 = tpu.memref_squeeze %dma_start3A_67 : memref<1x128xi32, #tpu.memory_space<vmem>> -> memref<128xi32, #tpu.memory_space<vmem>>
      %dma_start3A_69 = arith.constant 0 : i32
      %dma_start3A_70 = arith.constant 0 : i32
      %dma_start3A_71 = tpu.memref_slice %arg6[%dma_start3A_69, %dma_start3A_70] : memref<10240x16xf32, #tpu.memory_space<vmem_shared>> -> memref<10240x16xf32, #tpu.memory_space<vmem_shared>>
      tpu.enqueue_indirect_dma source(%arg8 : memref<128x16xf32, #tpu.memory_space<vmem>>) target(%dma_start3A_71 : memref<10240x16xf32, #tpu.memory_space<vmem_shared>>) offsets(%dma_start3A_68 : memref<128xi32, #tpu.memory_space<vmem>>) semaphore(%arg9 : memref<!tpu.dma_semaphore, #tpu.memory_space<semaphore_mem>>) {add = true}
      %ge3A = arith.constant 8 : i32
      %ge3A_72 = arith.cmpi sge, %scan3A_66, %ge3A : i32
      %convert_element_type3A = arith.extui %ge3A_72 : i1 to i32
      %cond3A = arith.constant 0 : i32
      %cond3A_73 = arith.cmpi ne, %convert_element_type3A, %cond3A : i32
      scf.if %cond3A_73 {
        %sub3A = arith.constant 8 : i32
        %sub3A_74 = arith.subi %scan3A_66, %sub3A : i32
        %dma_wait3A_75 = arith.constant 0 : i32
        %dma_wait3A_76 = tpu.memref_slice %arg7[%sub3A_74, %dma_wait3A_75] : memref<80x128xi32, #tpu.memory_space<vmem>> -> memref<1x128xi32, #tpu.memory_space<vmem>>
        %dma_wait3A_77 = tpu.memref_squeeze %dma_wait3A_76 : memref<1x128xi32, #tpu.memory_space<vmem>> -> memref<128xi32, #tpu.memory_space<vmem>>
        %dma_wait3A_78 = arith.constant 0 : i32
        %dma_wait3A_79 = arith.constant 0 : i32
        %dma_wait3A_80 = tpu.memref_slice %arg6[%dma_wait3A_78, %dma_wait3A_79] : memref<10240x16xf32, #tpu.memory_space<vmem_shared>> -> memref<10240x16xf32, #tpu.memory_space<vmem_shared>>
        tpu.wait_indirect_dma semaphore(%arg9 : memref<!tpu.dma_semaphore, #tpu.memory_space<semaphore_mem>>) src(%arg8 : memref<128x16xf32, #tpu.memory_space<vmem>>) dst(%dma_wait3A_80 : memref<10240x16xf32, #tpu.memory_space<vmem_shared>>)
      } else {
      }
    }
    %scan3A_9 = arith.constant 80 : i32
    %dma_wait3A = arith.constant 72 : i32
    %dma_wait3A_10 = arith.constant 0 : i32
    %dma_wait3A_11 = tpu.memref_slice %arg7[%dma_wait3A, %dma_wait3A_10] : memref<80x128xi32, #tpu.memory_space<vmem>> -> memref<1x128xi32, #tpu.memory_space<vmem>>
    %dma_wait3A_12 = tpu.memref_squeeze %dma_wait3A_11 : memref<1x128xi32, #tpu.memory_space<vmem>> -> memref<128xi32, #tpu.memory_space<vmem>>
    %dma_wait3A_13 = arith.constant 0 : i32
    %dma_wait3A_14 = arith.constant 0 : i32
    %dma_wait3A_15 = tpu.memref_slice %arg6[%dma_wait3A_13, %dma_wait3A_14] : memref<10240x16xf32, #tpu.memory_space<vmem_shared>> -> memref<10240x16xf32, #tpu.memory_space<vmem_shared>>
    tpu.wait_indirect_dma semaphore(%arg9 : memref<!tpu.dma_semaphore, #tpu.memory_space<semaphore_mem>>) src(%arg8 : memref<128x16xf32, #tpu.memory_space<vmem>>) dst(%dma_wait3A_15 : memref<10240x16xf32, #tpu.memory_space<vmem_shared>>)
    %dma_wait3A_16 = arith.constant 73 : i32
    %dma_wait3A_17 = arith.constant 0 : i32
    %dma_wait3A_18 = tpu.memref_slice %arg7[%dma_wait3A_16, %dma_wait3A_17] : memref<80x128xi32, #tpu.memory_space<vmem>> -> memref<1x128xi32, #tpu.memory_space<vmem>>
    %dma_wait3A_19 = tpu.memref_squeeze %dma_wait3A_18 : memref<1x128xi32, #tpu.memory_space<vmem>> -> memref<128xi32, #tpu.memory_space<vmem>>
    %dma_wait3A_20 = arith.constant 0 : i32
    %dma_wait3A_21 = arith.constant 0 : i32
    %dma_wait3A_22 = tpu.memref_slice %arg6[%dma_wait3A_20, %dma_wait3A_21] : memref<10240x16xf32, #tpu.memory_space<vmem_shared>> -> memref<10240x16xf32, #tpu.memory_space<vmem_shared>>
    tpu.wait_indirect_dma semaphore(%arg9 : memref<!tpu.dma_semaphore, #tpu.memory_space<semaphore_mem>>) src(%arg8 : memref<128x16xf32, #tpu.memory_space<vmem>>) dst(%dma_wait3A_22 : memref<10240x16xf32, #tpu.memory_space<vmem_shared>>)
    %dma_wait3A_23 = arith.constant 74 : i32
    %dma_wait3A_24 = arith.constant 0 : i32
    %dma_wait3A_25 = tpu.memref_slice %arg7[%dma_wait3A_23, %dma_wait3A_24] : memref<80x128xi32, #tpu.memory_space<vmem>> -> memref<1x128xi32, #tpu.memory_space<vmem>>
    %dma_wait3A_26 = tpu.memref_squeeze %dma_wait3A_25 : memref<1x128xi32, #tpu.memory_space<vmem>> -> memref<128xi32, #tpu.memory_space<vmem>>
    %dma_wait3A_27 = arith.constant 0 : i32
    %dma_wait3A_28 = arith.constant 0 : i32
    %dma_wait3A_29 = tpu.memref_slice %arg6[%dma_wait3A_27, %dma_wait3A_28] : memref<10240x16xf32, #tpu.memory_space<vmem_shared>> -> memref<10240x16xf32, #tpu.memory_space<vmem_shared>>
    tpu.wait_indirect_dma semaphore(%arg9 : memref<!tpu.dma_semaphore, #tpu.memory_space<semaphore_mem>>) src(%arg8 : memref<128x16xf32, #tpu.memory_space<vmem>>) dst(%dma_wait3A_29 : memref<10240x16xf32, #tpu.memory_space<vmem_shared>>)
    %dma_wait3A_30 = arith.constant 75 : i32
    %dma_wait3A_31 = arith.constant 0 : i32
    %dma_wait3A_32 = tpu.memref_slice %arg7[%dma_wait3A_30, %dma_wait3A_31] : memref<80x128xi32, #tpu.memory_space<vmem>> -> memref<1x128xi32, #tpu.memory_space<vmem>>
    %dma_wait3A_33 = tpu.memref_squeeze %dma_wait3A_32 : memref<1x128xi32, #tpu.memory_space<vmem>> -> memref<128xi32, #tpu.memory_space<vmem>>
    %dma_wait3A_34 = arith.constant 0 : i32
    %dma_wait3A_35 = arith.constant 0 : i32
    %dma_wait3A_36 = tpu.memref_slice %arg6[%dma_wait3A_34, %dma_wait3A_35] : memref<10240x16xf32, #tpu.memory_space<vmem_shared>> -> memref<10240x16xf32, #tpu.memory_space<vmem_shared>>
    tpu.wait_indirect_dma semaphore(%arg9 : memref<!tpu.dma_semaphore, #tpu.memory_space<semaphore_mem>>) src(%arg8 : memref<128x16xf32, #tpu.memory_space<vmem>>) dst(%dma_wait3A_36 : memref<10240x16xf32, #tpu.memory_space<vmem_shared>>)
    %dma_wait3A_37 = arith.constant 76 : i32
    %dma_wait3A_38 = arith.constant 0 : i32
    %dma_wait3A_39 = tpu.memref_slice %arg7[%dma_wait3A_37, %dma_wait3A_38] : memref<80x128xi32, #tpu.memory_space<vmem>> -> memref<1x128xi32, #tpu.memory_space<vmem>>
    %dma_wait3A_40 = tpu.memref_squeeze %dma_wait3A_39 : memref<1x128xi32, #tpu.memory_space<vmem>> -> memref<128xi32, #tpu.memory_space<vmem>>
    %dma_wait3A_41 = arith.constant 0 : i32
    %dma_wait3A_42 = arith.constant 0 : i32
    %dma_wait3A_43 = tpu.memref_slice %arg6[%dma_wait3A_41, %dma_wait3A_42] : memref<10240x16xf32, #tpu.memory_space<vmem_shared>> -> memref<10240x16xf32, #tpu.memory_space<vmem_shared>>
    tpu.wait_indirect_dma semaphore(%arg9 : memref<!tpu.dma_semaphore, #tpu.memory_space<semaphore_mem>>) src(%arg8 : memref<128x16xf32, #tpu.memory_space<vmem>>) dst(%dma_wait3A_43 : memref<10240x16xf32, #tpu.memory_space<vmem_shared>>)
    %dma_wait3A_44 = arith.constant 77 : i32
    %dma_wait3A_45 = arith.constant 0 : i32
    %dma_wait3A_46 = tpu.memref_slice %arg7[%dma_wait3A_44, %dma_wait3A_45] : memref<80x128xi32, #tpu.memory_space<vmem>> -> memref<1x128xi32, #tpu.memory_space<vmem>>
    %dma_wait3A_47 = tpu.memref_squeeze %dma_wait3A_46 : memref<1x128xi32, #tpu.memory_space<vmem>> -> memref<128xi32, #tpu.memory_space<vmem>>
    %dma_wait3A_48 = arith.constant 0 : i32
    %dma_wait3A_49 = arith.constant 0 : i32
    %dma_wait3A_50 = tpu.memref_slice %arg6[%dma_wait3A_48, %dma_wait3A_49] : memref<10240x16xf32, #tpu.memory_space<vmem_shared>> -> memref<10240x16xf32, #tpu.memory_space<vmem_shared>>
    tpu.wait_indirect_dma semaphore(%arg9 : memref<!tpu.dma_semaphore, #tpu.memory_space<semaphore_mem>>) src(%arg8 : memref<128x16xf32, #tpu.memory_space<vmem>>) dst(%dma_wait3A_50 : memref<10240x16xf32, #tpu.memory_space<vmem_shared>>)
    %dma_wait3A_51 = arith.constant 78 : i32
    %dma_wait3A_52 = arith.constant 0 : i32
    %dma_wait3A_53 = tpu.memref_slice %arg7[%dma_wait3A_51, %dma_wait3A_52] : memref<80x128xi32, #tpu.memory_space<vmem>> -> memref<1x128xi32, #tpu.memory_space<vmem>>
    %dma_wait3A_54 = tpu.memref_squeeze %dma_wait3A_53 : memref<1x128xi32, #tpu.memory_space<vmem>> -> memref<128xi32, #tpu.memory_space<vmem>>
    %dma_wait3A_55 = arith.constant 0 : i32
    %dma_wait3A_56 = arith.constant 0 : i32
    %dma_wait3A_57 = tpu.memref_slice %arg6[%dma_wait3A_55, %dma_wait3A_56] : memref<10240x16xf32, #tpu.memory_space<vmem_shared>> -> memref<10240x16xf32, #tpu.memory_space<vmem_shared>>
    tpu.wait_indirect_dma semaphore(%arg9 : memref<!tpu.dma_semaphore, #tpu.memory_space<semaphore_mem>>) src(%arg8 : memref<128x16xf32, #tpu.memory_space<vmem>>) dst(%dma_wait3A_57 : memref<10240x16xf32, #tpu.memory_space<vmem_shared>>)
    %dma_wait3A_58 = arith.constant 79 : i32
    %dma_wait3A_59 = arith.constant 0 : i32
    %dma_wait3A_60 = tpu.memref_slice %arg7[%dma_wait3A_58, %dma_wait3A_59] : memref<80x128xi32, #tpu.memory_space<vmem>> -> memref<1x128xi32, #tpu.memory_space<vmem>>
    %dma_wait3A_61 = tpu.memref_squeeze %dma_wait3A_60 : memref<1x128xi32, #tpu.memory_space<vmem>> -> memref<128xi32, #tpu.memory_space<vmem>>
    %dma_wait3A_62 = arith.constant 0 : i32
    %dma_wait3A_63 = arith.constant 0 : i32
    %dma_wait3A_64 = tpu.memref_slice %arg6[%dma_wait3A_62, %dma_wait3A_63] : memref<10240x16xf32, #tpu.memory_space<vmem_shared>> -> memref<10240x16xf32, #tpu.memory_space<vmem_shared>>
    tpu.wait_indirect_dma semaphore(%arg9 : memref<!tpu.dma_semaphore, #tpu.memory_space<semaphore_mem>>) src(%arg8 : memref<128x16xf32, #tpu.memory_space<vmem>>) dst(%dma_wait3A_64 : memref<10240x16xf32, #tpu.memory_space<vmem_shared>>)
    %barrier3A_65 = arith.constant 0 : index
    tpu.barrier barrier_id(%barrier3A_65)
    "tpu.region"() ({
      %run_scoped3A_66 = tpu.sem_alloc : memref<!tpu.dma_semaphore, #tpu.memory_space<semaphore_mem>>
      %dma_start3A = arith.constant 0 : i32
      %dma_start3A_67 = tpu.memref_slice %arg5[%arg0, %mul3A_2, %dma_start3A] : memref<2x10240x16xf32, #tpu.memory_space<hbm>> -> memref<1x640x16xf32, #tpu.memory_space<hbm>>
      %dma_start3A_68 = tpu.memref_squeeze %dma_start3A_67 : memref<1x640x16xf32, #tpu.memory_space<hbm>> -> memref<640x16xf32, #tpu.memory_space<hbm>>
      %dma_start3A_69 = arith.constant 0 : i32
      %dma_start3A_70 = tpu.memref_slice %arg6[%mul3A_2, %dma_start3A_69] : memref<10240x16xf32, #tpu.memory_space<vmem_shared>> -> memref<640x16xf32, #tpu.memory_space<vmem_shared>>
      tpu.enqueue_dma source(%dma_start3A_70 : memref<640x16xf32, #tpu.memory_space<vmem_shared>>) target(%dma_start3A_68 : memref<640x16xf32, #tpu.memory_space<hbm>>) target_semaphore(%run_scoped3A_66 : memref<!tpu.dma_semaphore, #tpu.memory_space<semaphore_mem>>)
      %dma_wait3A_71 = arith.constant 0 : i32
      %dma_wait3A_72 = tpu.memref_slice %arg5[%arg0, %mul3A_2, %dma_wait3A_71] : memref<2x10240x16xf32, #tpu.memory_space<hbm>> -> memref<1x640x16xf32, #tpu.memory_space<hbm>>
      %dma_wait3A_73 = tpu.memref_squeeze %dma_wait3A_72 : memref<1x640x16xf32, #tpu.memory_space<hbm>> -> memref<640x16xf32, #tpu.memory_space<hbm>>
      %dma_wait3A_74 = arith.constant 0 : i32
      %dma_wait3A_75 = tpu.memref_slice %arg6[%mul3A_2, %dma_wait3A_74] : memref<10240x16xf32, #tpu.memory_space<vmem_shared>> -> memref<640x16xf32, #tpu.memory_space<vmem_shared>>
      tpu.wait_dma2 semaphore(%run_scoped3A_66 : memref<!tpu.dma_semaphore, #tpu.memory_space<semaphore_mem>>) src(%dma_wait3A_75 : memref<640x16xf32, #tpu.memory_space<vmem_shared>>) dst(%dma_wait3A_73 : memref<640x16xf32, #tpu.memory_space<hbm>>)
      tpu.yield
    }) : () -> ()
    return
  }
}

module attributes {stable_mosaic.version = 14 : i64} {
  func.func @_tc1_body(%arg0: memref<2x1280x128xf32, #tpu.memory_space<vmem>>, %arg1: memref<1280x1024xf32, #tpu.memory_space<vmem>>, %arg2: memref<1024x128xf32, #tpu.memory_space<vmem>>, %arg3: memref<1280x128xf32, #tpu.memory_space<vmem>>, %arg4: memref<1280x128xf32, #tpu.memory_space<vmem>>) attributes {dimension_semantics = [], scalar_prefetch = 0 : i64, scratch_operands = 0 : i64, tpu.core_type = #tpu.core_type<tc>} {
    %get3A = arith.constant 0 : index
    %get3A_0 = arith.constant 0 : index
    %get3A_1 = arith.constant 0 : index
    %get3A_2 = vector.load %arg0[%get3A, %get3A_0, %get3A_1] : memref<2x1280x128xf32, #tpu.memory_space<vmem>>, vector<1x1280x128xf32>
    %get3A_3 = vector.shape_cast %get3A_2 : vector<1x1280x128xf32> to vector<1280x128xf32>
    %get3A_4 = arith.constant 1 : index
    %get3A_5 = arith.constant 0 : index
    %get3A_6 = arith.constant 0 : index
    %get3A_7 = vector.load %arg0[%get3A_4, %get3A_5, %get3A_6] : memref<2x1280x128xf32, #tpu.memory_space<vmem>>, vector<1x1280x128xf32>
    %get3A_8 = vector.shape_cast %get3A_7 : vector<1x1280x128xf32> to vector<1280x128xf32>
    %add3A = arith.addf %get3A_3, %get3A_8 : vector<1280x128xf32>
    %add3A_9 = arith.constant 1.000000e+00 : f32
    %add3A_10 = vector.broadcast %add3A_9 : f32 to vector<1280x128xf32>
    %add3A_11 = arith.addf %add3A, %add3A_10 : vector<1280x128xf32>
    %rsqrt3A = math.rsqrt %add3A_11 : vector<1280x128xf32>
    %swap3A = arith.constant 0 : index
    %swap3A_12 = arith.constant 0 : index
    %swap3A_13 = vector.load %arg3[%swap3A, %swap3A_12] : memref<1280x128xf32, #tpu.memory_space<vmem>>, vector<1280x128xf32>
    tpu.vector_store %arg3[%swap3A, %swap3A_12], %rsqrt3A {strides = array<i32>} : memref<1280x128xf32, #tpu.memory_space<vmem>>, vector<1280x128xf32>,
    %get3A_14 = arith.constant 0 : index
    %get3A_15 = arith.constant 0 : index
    %get3A_16 = vector.load %arg1[%get3A_14, %get3A_15] : memref<1280x1024xf32, #tpu.memory_space<vmem>>, vector<1280x1024xf32>
    %get3A_17 = arith.constant 0 : index
    %get3A_18 = arith.constant 0 : index
    %get3A_19 = vector.load %arg2[%get3A_17, %get3A_18] : memref<1024x128xf32, #tpu.memory_space<vmem>>, vector<1024x128xf32>
    %dot_general3A = arith.constant dense<0.000000e+00> : vector<1280x128xf32>
    %dot_general3A_20 = tpu.matmul %get3A_16, %get3A_19, %dot_general3A {dimension_numbers = #tpu.dot_dimension_numbers<[1], [0], [0], [1], [0, 0, 1, 1], [], []>, transpose_lhs_hint = false} : vector<1280x1024xf32>, vector<1024x128xf32>, vector<1280x128xf32> -> vector<1280x128xf32>
    %mul3A = arith.mulf %dot_general3A_20, %rsqrt3A : vector<1280x128xf32>
    %swap3A_21 = arith.constant 0 : index
    %swap3A_22 = arith.constant 0 : index
    %swap3A_23 = vector.load %arg4[%swap3A_21, %swap3A_22] : memref<1280x128xf32, #tpu.memory_space<vmem>>, vector<1280x128xf32>
    tpu.vector_store %arg4[%swap3A_21, %swap3A_22], %mul3A {strides = array<i32>} : memref<1280x128xf32, #tpu.memory_space<vmem>>, vector<1280x128xf32>,
    return
  }
}

module attributes {stable_mosaic.version = 14 : i64} {
  func.func @_tc2_body(%arg0: memref<2x1280x128xf32, #tpu.memory_space<vmem>>, %arg1: memref<1280x128xf32, #tpu.memory_space<vmem>>, %arg2: memref<1280x128xf32, #tpu.memory_space<vmem>>, %arg3: memref<1x128xf32, #tpu.memory_space<vmem>>, %arg4: memref<128x128xf32, #tpu.memory_space<vmem>>, %arg5: memref<1280x128xf32, #tpu.memory_space<vmem>>) attributes {dimension_semantics = [], scalar_prefetch = 0 : i64, scratch_operands = 0 : i64, tpu.core_type = #tpu.core_type<tc>} {
    %get3A = arith.constant 0 : index
    %get3A_0 = arith.constant 0 : index
    %get3A_1 = vector.load %arg2[%get3A, %get3A_0] : memref<1280x128xf32, #tpu.memory_space<vmem>>, vector<1280x128xf32>
    %get3A_2 = arith.constant 0 : index
    %get3A_3 = arith.constant 0 : index
    %get3A_4 = arith.constant 0 : index
    %get3A_5 = vector.load %arg0[%get3A_2, %get3A_3, %get3A_4] : memref<2x1280x128xf32, #tpu.memory_space<vmem>>, vector<1x1280x128xf32>
    %get3A_6 = vector.shape_cast %get3A_5 : vector<1x1280x128xf32> to vector<1280x128xf32>
    %get3A_7 = arith.constant 1 : index
    %get3A_8 = arith.constant 0 : index
    %get3A_9 = arith.constant 0 : index
    %get3A_10 = vector.load %arg0[%get3A_7, %get3A_8, %get3A_9] : memref<2x1280x128xf32, #tpu.memory_space<vmem>>, vector<1x1280x128xf32>
    %get3A_11 = vector.shape_cast %get3A_10 : vector<1x1280x128xf32> to vector<1280x128xf32>
    %add3A = arith.addf %get3A_6, %get3A_11 : vector<1280x128xf32>
    %get3A_12 = arith.constant 0 : index
    %get3A_13 = arith.constant 0 : index
    %get3A_14 = vector.load %arg1[%get3A_12, %get3A_13] : memref<1280x128xf32, #tpu.memory_space<vmem>>, vector<1280x128xf32>
    %add3A_15 = arith.addf %add3A, %get3A_14 : vector<1280x128xf32>
    %mul3A = arith.mulf %get3A_1, %add3A_15 : vector<1280x128xf32>
    %get3A_16 = arith.constant 0 : index
    %get3A_17 = arith.constant 0 : index
    %get3A_18 = vector.load %arg3[%get3A_16, %get3A_17] : memref<1x128xf32, #tpu.memory_space<vmem>>, vector<1x128xf32>
    %add3A_19 = vector.broadcast %get3A_18 : vector<1x128xf32> to vector<1280x128xf32>
    %add3A_20 = arith.addf %mul3A, %add3A_19 : vector<1280x128xf32>
    %max3A = arith.constant 0.000000e+00 : f32
    %max3A_21 = vector.broadcast %max3A : f32 to vector<1280x128xf32>
    %max3A_22 = arith.maximumf %add3A_20, %max3A_21 : vector<1280x128xf32>
    %iota3A = tpu.iota {dimensions = array<i32: 0>} : vector<1280x128xi32>
    %iota3A_23 = tpu.iota {dimensions = array<i32: 1>} : vector<1280x128xi32>
    %mul3A_24 = arith.constant 8 : i32
    %mul3A_25 = vector.broadcast %mul3A_24 : i32 to vector<1280x128xi32>
    %mul3A_26 = arith.muli %iota3A, %mul3A_25 : vector<1280x128xi32>
    %shift_right_logical3A = arith.constant 4 : i32
    %shift_right_logical3A_27 = vector.broadcast %shift_right_logical3A : i32 to vector<1280x128xi32>
    %shift_right_logical3A_28 = arith.shrui %iota3A_23, %shift_right_logical3A_27 : vector<1280x128xi32>
    %add3A_29 = arith.addi %mul3A_26, %shift_right_logical3A_28 : vector<1280x128xi32>
    %lt3A = arith.constant 10000 : i32
    %lt3A_30 = vector.broadcast %lt3A : i32 to vector<1280x128xi32>
    %lt3A_31 = arith.cmpi slt, %add3A_29, %lt3A_30 : vector<1280x128xi32>
    %jit3A = arith.constant 0.000000e+00 : f32
    %broadcast_in_dim3A = vector.broadcast %jit3A : f32 to vector<1280x128xf32>
    %select_n3A = arith.select %lt3A_31, %max3A_22, %broadcast_in_dim3A : vector<1280x128xi1>, vector<1280x128xf32>
    %get3A_32 = arith.constant 0 : index
    %get3A_33 = arith.constant 0 : index
    %get3A_34 = vector.load %arg4[%get3A_32, %get3A_33] : memref<128x128xf32, #tpu.memory_space<vmem>>, vector<128x128xf32>
    %dot_general3A = arith.constant dense<0.000000e+00> : vector<1280x128xf32>
    %dot_general3A_35 = tpu.matmul %select_n3A, %get3A_34, %dot_general3A {dimension_numbers = #tpu.dot_dimension_numbers<[1], [0], [0], [1], [0, 0, 1, 1], [], []>, transpose_lhs_hint = false} : vector<1280x128xf32>, vector<128x128xf32>, vector<1280x128xf32> -> vector<1280x128xf32>
    %mul3A_36 = arith.mulf %dot_general3A_35, %get3A_1 : vector<1280x128xf32>
    %swap3A = arith.constant 0 : index
    %swap3A_37 = arith.constant 0 : index
    %swap3A_38 = vector.load %arg5[%swap3A, %swap3A_37] : memref<1280x128xf32, #tpu.memory_space<vmem>>, vector<1280x128xf32>
    tpu.vector_store %arg5[%swap3A, %swap3A_37], %mul3A_36 {strides = array<i32>} : memref<1280x128xf32, #tpu.memory_space<vmem>>, vector<1280x128xf32>,
    return
  }
}

module attributes {stable_mosaic.version = 14 : i64} {
  func.func @_tc3_body(%arg0: memref<2x1280x128xf32, #tpu.memory_space<vmem>>, %arg1: memref<1280x128xf32, #tpu.memory_space<vmem>>, %arg2: memref<1280x128xf32, #tpu.memory_space<vmem>>, %arg3: memref<1x128xf32, #tpu.memory_space<vmem>>, %arg4: memref<128x128xf32, #tpu.memory_space<vmem>>, %arg5: memref<1250x128xf32, #tpu.memory_space<vmem>>) attributes {dimension_semantics = [], scalar_prefetch = 0 : i64, scratch_operands = 0 : i64, tpu.core_type = #tpu.core_type<tc>} {
    %get3A = arith.constant 0 : index
    %get3A_0 = arith.constant 0 : index
    %get3A_1 = vector.load %arg2[%get3A, %get3A_0] : memref<1280x128xf32, #tpu.memory_space<vmem>>, vector<1280x128xf32>
    %get3A_2 = arith.constant 0 : index
    %get3A_3 = arith.constant 0 : index
    %get3A_4 = arith.constant 0 : index
    %get3A_5 = vector.load %arg0[%get3A_2, %get3A_3, %get3A_4] : memref<2x1280x128xf32, #tpu.memory_space<vmem>>, vector<1x1280x128xf32>
    %get3A_6 = vector.shape_cast %get3A_5 : vector<1x1280x128xf32> to vector<1280x128xf32>
    %get3A_7 = arith.constant 1 : index
    %get3A_8 = arith.constant 0 : index
    %get3A_9 = arith.constant 0 : index
    %get3A_10 = vector.load %arg0[%get3A_7, %get3A_8, %get3A_9] : memref<2x1280x128xf32, #tpu.memory_space<vmem>>, vector<1x1280x128xf32>
    %get3A_11 = vector.shape_cast %get3A_10 : vector<1x1280x128xf32> to vector<1280x128xf32>
    %add3A = arith.addf %get3A_6, %get3A_11 : vector<1280x128xf32>
    %get3A_12 = arith.constant 0 : index
    %get3A_13 = arith.constant 0 : index
    %get3A_14 = vector.load %arg1[%get3A_12, %get3A_13] : memref<1280x128xf32, #tpu.memory_space<vmem>>, vector<1280x128xf32>
    %add3A_15 = arith.addf %add3A, %get3A_14 : vector<1280x128xf32>
    %mul3A = arith.mulf %get3A_1, %add3A_15 : vector<1280x128xf32>
    %get3A_16 = arith.constant 0 : index
    %get3A_17 = arith.constant 0 : index
    %get3A_18 = vector.load %arg3[%get3A_16, %get3A_17] : memref<1x128xf32, #tpu.memory_space<vmem>>, vector<1x128xf32>
    %add3A_19 = vector.broadcast %get3A_18 : vector<1x128xf32> to vector<1280x128xf32>
    %add3A_20 = arith.addf %mul3A, %add3A_19 : vector<1280x128xf32>
    %reduce_max3A = arith.constant dense<0xFF800000> : vector<1280xf32>
    %reduce_max3A_21 = vector.multi_reduction <maximumf>, %add3A_20, %reduce_max3A [1] : vector<1280x128xf32> to vector<1280xf32>
    %broadcast_in_dim3A = vector.shape_cast %reduce_max3A_21 : vector<1280xf32> to vector<1280x1xf32>
    %sub3A = vector.broadcast %broadcast_in_dim3A : vector<1280x1xf32> to vector<1280x128xf32>
    %sub3A_22 = arith.subf %add3A_20, %sub3A : vector<1280x128xf32>
    %exp3A = math.exp %sub3A_22 : vector<1280x128xf32>
    %get3A_23 = arith.constant 0 : index
    %get3A_24 = arith.constant 0 : index
    %get3A_25 = vector.load %arg4[%get3A_23, %get3A_24] : memref<128x128xf32, #tpu.memory_space<vmem>>, vector<128x128xf32>
    %dot_general3A = arith.constant dense<0.000000e+00> : vector<1280x128xf32>
    %dot_general3A_26 = tpu.matmul %exp3A, %get3A_25, %dot_general3A {dimension_numbers = #tpu.dot_dimension_numbers<[1], [0], [0], [1], [0, 0, 1, 1], [], []>, transpose_lhs_hint = false} : vector<1280x128xf32>, vector<128x128xf32>, vector<1280x128xf32> -> vector<1280x128xf32>
    %sub3A_27 = vector.broadcast %broadcast_in_dim3A : vector<1280x1xf32> to vector<1280x128xf32>
    %sub3A_28 = arith.subf %add3A_20, %sub3A_27 : vector<1280x128xf32>
    %log3A = math.log %dot_general3A_26 : vector<1280x128xf32>
    %sub3A_29 = arith.subf %sub3A_28, %log3A : vector<1280x128xf32>
    %slice3A = vector.extract_strided_slice %sub3A_29 {offsets = [0, 0], sizes = [1250, 128], strides = [1, 1]} : vector<1280x128xf32> to vector<1250x128xf32>
    %swap3A = arith.constant 0 : index
    %swap3A_30 = arith.constant 0 : index
    %swap3A_31 = vector.load %arg5[%swap3A, %swap3A_30] : memref<1250x128xf32, #tpu.memory_space<vmem>>, vector<1250x128xf32>
    tpu.vector_store %arg5[%swap3A, %swap3A_30], %slice3A {strides = array<i32>} : memref<1250x128xf32, #tpu.memory_space<vmem>>, vector<1250x128xf32>,
    return
  }
}

</mosaic_0001>

<sc_bundles>
// kernel: kernel.11.cloned.1.call-start
scs
__scs_entry_jumppad:
0x0: {  	(pc) =	sbr.rel $0x88, $3  }
0x1: {  	(tag) =	ssettag $0x0;
	lr =	simm.s32 $0x1  }
0x2: {  	[smem:$0x3F9B] =	sst lr;
	_ =	strace $0xD0000000  }
0x3: {  	_ = 	snop  }
0x4: {  	_ = 	snop  }
0x5: {  	_ = 	snop  }
0x6: {  	_ = 	snop  }
0x7: {  	_ = 	snop  }
__scs_overlays_trampoline_lowered:
0x8: {  	[smem:$0x3FAA] =	sst s0  }
0x9: {  	[smem:$0x3FAB] =	sst s1  }
0xa: {  	[smem:$0x3FAC] =	sst s2  }
0xb: {  	[smem:$0x3FAD] =	sst s3  }
0xc: {  	[smem:$0x3FAE] =	sst s4  }
0xd: {  	[smem:$0x3FAF] =	sst s5  }
0xe: {  	[smem:$0x3FB0] =	sst s6  }
0xf: {  	[smem:$0x3FB1] =	sst s7  }
0x10: {  	[smem:$0x3FB2] =	sst s8  }
0x11: {  	[smem:$0x3FB3] =	sst s9;
	s0 =	simm.s32 @!p0 $0x0  }
0x12: {  	s1 =	sld [smem:$0x3F99];
	s0 =	simm.s32 @p0 $0x1  }
0x13: {  	[smem:$0x3FB4] =	sst s0;
	s0 =	simm.s32 @!p1 $0x0  }
0x14: {  	s2 =	sld [smem:$0x3F98];
	s0 =	simm.s32 @p1 $0x1  }
0x15: {  	[smem:$0x3FB5] =	sst s0;
	s0 =	simm.s32 @!p2 $0x0  }
0x16: {  	s3 =	sld [smem:$0x3FDB];
	s0 =	simm.s32 @p2 $0x1  }
0x17: {  	s4 =	simm.s32 $0x1BF5;
	[smem:$0x3FB7] =	sst s0  }
0x18: {  	s0 =	sld [smem:$0x3F9A];
	_ =	swait.ge [sflag:s4], $0x0  }
0x19: {  	s7 =	sld [smem:$0x3F9B]  }
0x1a: {  	s8 =	sadd.s32 $0xFFFFE003, lr  }
0x1b: {  	s9 =	sadd.s32 $0xFFFFFEF7, lr;
	s5 =	simm.s32 $0xFFFFFFFF;
	p2 =	slt.u32 s8, $0xFFFFF086  }
0x1c: {  	p1 =	slt.u32 s9, $0xF7A;
	s5 =	simm.s32 @!p2 $0x0  }
0x1d: {  	s5 =	simm.s32 @p1 $0x1;
	p0 =	seq.s32 s7, s2  }
0x1e: {  	s7 =	smul.u32 @!p0 $0xF7A, s2;
	p2 =	seq.s32 @!p0 s5, $0x0  }
0x1f: {  	s9 =	smul.u32 $0xF7A, s1;
	s8 =	simm.s32 @!p0 $0x1BF5;
	p2 =	por !p2, p0  }
0x20: {  	[sflag:s8] =	ssyncset.s32 @!p0 $0xFFFFF086;
	s6 =	sadd.s32 @!p0 s3, s7;
	s7 =	simm.s32 @!p0 $0x108  }
0x21: {  	s3 =	sadd.s32 s3, s9;
	s6 =	sadd.s32 @!p0 $0x88, s6;
	s7 =	simm.s32 @p2 $0x1082  }
0x22: {  	[simem:s7], [sflag:s8] =	dma.local @!p0 [hbm:s6], $0xF7A  }
0x23: {  	s9 =	sor.u32 $0xD0000000, s2;
	s6 =	simm.s32 $0x108;
	_ =	swait.ge @!p0 [sflag:s8], $0x0  }
0x24: {  	s3 =	sadd.s32 $0x88, s3;
	s6 =	simm.s32 @!p1 $0x1082;
	[sflag:s4] =	ssyncset.s32 $0xFFFFF086  }
0x25: {  	[simem:s6], [sflag:s4] =	dma.local [hbm:s3], $0xF7A  }
0x26: {  	[smem:$0x3F9B] =	sst s1;
	(tag) =	ssettag s2;
	_ =	strace s9  }
0x27: {  	s1 =	sld [smem:$0x3FAB]  }
0x28: {  	s2 =	sld [smem:$0x3FAC]  }
0x29: {  	s4 =	sld [smem:$0x3FAE]  }
0x2a: {  	p0 =	seq.s32 s5, $0x0;
	s5 =	sld [smem:$0x3FAF]  }
0x2b: {  	s6 =	sld [smem:$0x3FB0]  }
0x2c: {  	s7 =	sld [smem:$0x3FB1]  }
0x2d: {  	s3 =	simm.s32 $0x108;
	s8 =	sld [smem:$0x3FB2]  }
0x2e: {  	s3 =	simm.s32 @!p0 $0x1082;
	s9 =	sld [smem:$0x3FB3]  }
0x2f: {  	lr =	sadd.s32 s0, s3;
	s0 =	sld [smem:$0x3FAA]  }
0x30: {  	s3 =	sld [smem:$0x3FAD]  }
0x31: {  	[smem:$0x3FB6] =	sst s10  }
0x32: {  	s10 =	sld [smem:$0x3FB4];
	_ =	sdelay $0x3  }
0x33: {  	p0 =	seq.s32 s10, $0x1;
	s10 =	sld [smem:$0x3FB6];
	_ =	sdelay $0x3  }
0x34: {  	[smem:$0x3FB6] =	sst s10  }
0x35: {  	s10 =	sld [smem:$0x3FB5];
	_ =	sdelay $0x3  }
0x36: {  	p1 =	seq.s32 s10, $0x1;
	s10 =	sld [smem:$0x3FB6];
	_ =	sdelay $0x3  }
0x37: {  	[smem:$0x3FB6] =	sst s10  }
0x38: {  	s10 =	sld [smem:$0x3FB7]  }
0x39: {  	_ = 	snop;
	(pc) =	sbr.ind lr, $3  }
0x3a: {  	_ = 	snop  }
0x3b: {  	_ = 	snop  }
0x3c: {  	p2 =	seq.s32 s10, $0x1;
	s10 =	sld [smem:$0x3FB6]  }
0x3d: {  	_ =	shalt  }
0x3e: {  	_ =	shalt  }
0x3f: {  	_ =	shalt  }
0x40: {  	_ =	shalt  }
0x41: {  	_ =	shalt  }
0x42: {  	_ =	shalt  }
0x43: {  	_ =	shalt  }
0x44: {  	_ =	shalt  }
0x45: {  	_ =	shalt  }
0x46: {  	_ =	shalt  }
0x47: {  	_ =	shalt  }
0x48: {  	_ =	shalt  }
0x49: {  	_ =	shalt  }
0x4a: {  	_ =	shalt  }
0x4b: {  	_ =	shalt  }
0x4c: {  	_ =	shalt  }
0x4d: {  	_ =	shalt  }
0x4e: {  	_ =	shalt  }
0x4f: {  	_ =	shalt  }
0x50: {  	_ =	shalt  }
0x51: {  	_ =	shalt  }
0x52: {  	_ =	shalt  }
0x53: {  	_ =	shalt  }
0x54: {  	_ =	shalt  }
0x55: {  	_ =	shalt  }
0x56: {  	_ =	shalt  }
0x57: {  	_ =	shalt  }
0x58: {  	_ =	shalt  }
0x59: {  	_ =	shalt  }
0x5a: {  	_ =	shalt  }
0x5b: {  	_ =	shalt  }
0x5c: {  	_ =	shalt  }
0x5d: {  	_ =	shalt  }
0x5e: {  	_ =	shalt  }
0x5f: {  	_ =	shalt  }
0x60: {  	_ =	shalt  }
0x61: {  	_ =	shalt  }
0x62: {  	_ =	shalt  }
0x63: {  	_ =	shalt  }
0x64: {  	_ =	shalt  }
0x65: {  	_ =	shalt  }
0x66: {  	_ =	shalt  }
0x67: {  	_ =	shalt  }
0x68: {  	_ =	shalt  }
0x69: {  	_ =	shalt  }
0x6a: {  	_ =	shalt  }
0x6b: {  	_ =	shalt  }
0x6c: {  	_ =	shalt  }
0x6d: {  	_ =	shalt  }
0x6e: {  	_ =	shalt  }
0x6f: {  	_ =	shalt  }
0x70: {  	_ =	shalt  }
0x71: {  	_ =	shalt  }
0x72: {  	_ =	shalt  }
0x73: {  	_ =	shalt  }
0x74: {  	_ =	shalt  }
0x75: {  	_ =	shalt  }
0x76: {  	_ =	shalt  }
0x77: {  	_ =	shalt  }
0x78: {  	_ =	shalt  }
0x79: {  	_ =	shalt  }
0x7a: {  	_ =	shalt  }
0x7b: {  	_ =	shalt  }
0x7c: {  	_ =	shalt  }
0x7d: {  	_ =	shalt  }
0x7e: {  	_ =	shalt  }
0x7f: {  	_ =	shalt  }
0x80: {  	_ =	shalt  }
0x81: {  	_ =	shalt  }
0x82: {  	_ =	shalt  }
0x83: {  	_ =	shalt  }
0x84: {  	_ =	shalt  }
0x85: {  	_ =	shalt  }
0x86: {  	_ =	shalt  }
0x87: {  	_ =	shalt  }
.Lfunc_end0:
.L_simem_size_0:
called_computation.1_lowered:
.L_overlay_start_0:
0x88: {  	s2 =	sld [smem:$0x3FD9]  }
0x89: {  	s3 =	sld [smem:$0x3FFE];
	_ =	sdelay $0x1  }
0x8a: {  	s1 =	srdreg.scid  }
0x8b: {  	s0 =	sand.u32 $0x1, s1  }
0x8c: {  	s16 =	sshll.u32 s0, $0xA;
	s2 =	sadd.s32 s3, s2  }
0x8d: {  	s2 =	sadd.s32 s2, s16  }
0x8e: {  	[smem:$0x3FC2] =	sst s2  }
0x8f: {  	_ = 	snop  }
0x90: {  	(tm) =	ssettm $0x1  }
0x91: {  	s17 =	sld [smem:$0x3FFB];
	_ =	sdelay $0x3  }
0x92: {  	_ =	strace s17  }
0x93: {  	s2 =	sld [smem:$0x3FFC];
	_ =	sdelay $0x3  }
0x94: {  	_ =	strace s2  }
0x95: {  	s2 =	sld [smem:$0x3FFD];
	_ =	sdelay $0x3  }
0x96: {  	_ =	strace s2  }
0x97: {  	_ =	strace $0x8FFFFFFF  }
0x98: {  	s18 =	sld [smem:$0x3FDB];
	_ =	sdelay $0x1  }
0x99: {  	s19 =	simm.s32 $_scs_section_size  }
0x9a: {  	s4 =	simm.s32 $_size__tile_overlayer_lowered;
	s5 =	simm.s32 $_tile_overlayer_lowered  }
0x9b: {  	s22 =	simm.s32 $0x1BFF;
	s21 =	sshll.u32 s5, $0x1;
	s2 =	sadd.s32 s19, s18  }
0x9c: {  	s6 =	simm.s32 $0x0;
	s20 =	sshll.u32 s4, $0x1;
	s4 =	sadd.s32 s21, s2  }
0x9d: {  	[timem:s6], [sflag:s22] =	dma.local [hbm:s4], s20  }
0x9e: {  	_ =	swait.ge [sflag:s22], s20  }
0x9f: {  	s3 =	ssub.s32 $0x0, s20;
	[sflag:s22] =	ssyncset.done $0x0  }
0xa0: {  	[sflag:s22] =	ssyncadd.s32 s3;
	_ =	sdelay $0x1  }
0xa1: {  	s23 =	simm.s32 $0x1B8B  }
0xa2: {  	_ =	swait.ge [sflag:s23], $0x1  }
0xa3: {  	[sflag:s23] =	ssyncset.done $0x0  }
0xa4: {  	s25 =	simm.s32 $0x1B8E;
	s24 =	sld [smem:$0x3FFE];
	[sflag:s23] =	ssyncadd.s32 $0xFFFFFFFF  }
0xa5: {  	s26 =	simm.s32 $execute0_lowered;
	[smem:$0x3FD2] =	sst s25  }
0xa6: {  	s4 =	sshll.u32 s26, $0x1;
	_ =	strace $0x80000049;
	[dreg:$0x1] =	wrdreg $0xFFFFFFFF  }
0xa7: {  	s28 =	simm.s32 $_size_execute0_lowered;
	s2 =	sadd.s32 s2, s4;
	[dreg:$0x0] =	wrdreg $0x0  }
0xa8: {  	s4 =	sshll.u32 s28, $0x1;
	[dreg:$0x2] =	wrdreg s2  }
0xa9: {  	[dreg:$0x3] =	wrdreg s4  }
0xaa: {  	[dreg:$0x4] =	wrdreg $0xC0  }
0xab: {  	_ =	task [dreg:s6], $0x5FFFF  }
0xac: {  	[dreg:$0x1] =	wrdreg $0xFFFFFFFF  }
0xad: {  	[dreg:$0x0] =	wrdreg $0x60  }
0xae: {  	[dreg:$0x2] =	wrdreg s24  }
0xaf: {  	[dreg:$0x3] =	wrdreg $0x0  }
0xb0: {  	[dreg:$0x4] =	wrdreg $0x28000  }
0xb1: {  	[dreg:$0x5] =	wrdreg $0x9  }
0xb2: {  	_ =	task.clear_ibuf [dreg:s6], $0x6FFFF;
	_ =	strace $0x90000049  }
0xb3: {  	s29 =	simm.s32 $0x9;
	_ =	strace $0x8000004B  }
0xb4: {  	_ =	swait.ge [sflag:s29], $0x1  }
0xb5: {  	[sflag:s29] =	ssyncadd.s32 $0xFFFFFFFF  }
0xb6: {  	_ =	strace $0x9000004B  }
0xb7: {  	_ =	sfence  }
0xb8: {  	s30 =	sld [smem:$0x0];
	_ =	sdelay $0x2  }
0xb9: {  	s31 =	sshll.u32 s1, $0xD;
	s1 =	sshrl.u32 s1, $0x2  }
0xba: {  	s3 =	sand.u32 $0x4000, s31;
	s1 =	sadd.s32 s1, s30  }
0xbb: {  	s0 =	sor.u32 s3, s0;
	s1 =	sshll.u32 s1, $0x11  }
0xbc: {  	s0 =	sor.u32 s1, s0  }
0xbd: {  	s0 =	sadd.s32 $0x8F2B, s0  }
0xbe: {  	[sflag:s0] =	ssyncadd.remote.s32 $0x1  }
0xbf: {  	_ =	sfence.sel $0xFFFF  }
0xc0: {  	[dreg:$0x0] =	wrdreg $0xFFFFFFFF;
	(pc) =	sbr.abs _section_cstart, $3  }
0xc1: {  	[dreg:$0x1] =	wrdreg $0xFFFFFFFF  }
0xc2: {  	_ =	task.clear_ibuf [dreg:s6], $0x2FFFF;
	_ =	strace $0x9FFFFFFF  }
0xc3: {  	(tm) =	ssettm $0x7FFFFFFF  }
tec
execute0_lowered:
.L_overlay_start_1:
0x0: {  	(tag) =	ssettag $0x1  }
0x1: {  	s0 =	rddreg [dreg:$0x0]  }
0x2: {  	s2 =	rddreg [dreg:$0x1]  }
0x3: {  	s3 =	rddreg [dreg:$0x2]  }
0x4: {  	s10 =	stileid.u32;
	s1 =	srdreg.scid  }
0x5: {  	s4 =	simm.s32 $0x0;
	s13 =	simm.s32 $0x3;
	s15 =	simm.s32 $0x5000  }
0x6: {  	s16 =	simm.s32 $0x7800;
	s17 =	simm.s32 $0x80;
	s18 =	simm.s32 $0xA000  }
0x7: {  	s20 =	simm.s32 $0xA800;
	s22 =	simm.s32 $0xB000;
	s23 =	simm.s32 $0x1  }
0x8: {  	s25 =	simm.s32 $0xB800;
	s28 =	simm.s32 $0x2;
	s19 =	simm.s32 $0x0  }
0x9: {  	s7 =	smul.u32 $0x2800, s10;
	s1 =	sand.u32 $0x1, s1;
	s5 =	sshll.u32 s10, $0x1  }
0xa: {  	[smem:$0x7FF] =	sst s4;
	s31 =	sshll.u32 s10, $0x6;
	s5 =	sor.u32 s1, s5  }
0xb: {  	s6 =	smul.u32 $0x28000, s1;
	_ =	strace $0x8000004A;
	s1 =	ssub.s32 $0x2, s1  }
0xc: {  	s8 =	sshrl.u32 s7, $0x3;
	s5 =	smul.u32 $0x2800, s5;
	s30 =	sshrl.u32 s1, $0x1  }
0xd: {  	s12 =	sadd.s32 s7, s2;
	s14 =	sadd.s32 s7, s3;
	s8 =	sadd.s32 s8, s0  }
0xe: {  	s6 =	sadd.s32 s7, s6;
	s1 =	ssub.s32 s1, s30;
	s12 =	sshrl.u32 s12, $0x3  }
.Ltmp0:
0xf: {  	s14 =	sshrl.u32 s14, $0x3;
	s5 =	sshrl.u32 s5, $0x3;
	(pc) =	sbr.rel .LBB2_1-.Ltmp0, $4  }
0x10: {  	s6 =	sshrl.u32 s6, $0x3;
	s7 =	sadd.s32 $0x1BE00, s8;
	s11 =	smax.u32 s1, $0x1  }
0x11: {  	s1 =	simm.s32 $0x5300;
	s9 =	sadd.s32 s5, s0;
	s0 =	sadd.s32 s6, s0  }
0x12: {  	s5 =	sadd.s32 $0x16E00, s8;
	s6 =	sor.u32 $0x1C03, s31;
	s8 =	sadd.s32 $0x2E00, s9  }
0x13: {  	s9 =	sadd.s32 $0xCE00, s9;
	s10 =	sadd.s32 $0x20E00, s0;
	s0 =	simm.s32 $0x7980  }
.LBB2_4:
0x14: {  	_ =	swait.ge [sflag:s28], $0x800  }
0x15: {  	s19 =	sadd.s32 $0x1, s19;
	[sflag:s28] =	ssyncset.done $0x0  }
0x16: {  	p0 =	sne.s32 s19, s11;
	[sflag:s28] =	ssyncadd.s32 $0xFFFFF800  }
.Ltmp1:
0x17: {  	[bflag:$0x0] =	sbarrier.arrive $0xFFFF;
	(pc) =	sbr.rel @!p0 .LBB2_5-.Ltmp1, $4  }
0x18: {  	[hbm:s10], [sflag:s6] =	dma.local [spmem:s12], $0x500  }
0x19: {  	_ =	swait.ge [sflag:s13], $0x500  }
0x1a: {  	[sflag:s13] =	ssyncset.done $0x0  }
0x1b: {  	[sflag:s13] =	ssyncadd.s32 $0xFFFFFB00  }
.LBB2_1:
0x1c: {  	[spmem:s12], [sflag:s6] =	dma.local [hbm:s5], $0x500  }
0x1d: {  	_ =	swait.ge [sflag:s13], $0x500  }
0x1e: {  	[sflag:s13] =	ssyncset.done $0x0  }
0x1f: {  	[sflag:s13] =	ssyncadd.s32 $0xFFFFFB00  }
0x20: {  	[spmem:s14], [sflag:s6] =	dma.local [hbm:s7], $0x500  }
0x21: {  	_ =	swait.ge [sflag:s13], $0x500  }
0x22: {  	[sflag:s13] =	ssyncset.done $0x0  }
0x23: {  	[sflag:s13] =	ssyncadd.s32 $0xFFFFFB00  }
0x24: {  	[tilespmem:s15], [sflag:$0x3] =	stream.linear.gather [hbm4b:s8+s4], $0x2800, $0x38;
	[tilespmem:$0xC000] =	vst v63  }
0x25: {  	_ =	swait.ge [sflag:s13], $0x2800  }
0x26: {  	[sflag:s13] =	ssyncset.done $0x0  }
0x27: {  	[sflag:s13] =	ssyncadd.s32 $0xFFFFD800  }
0x28: {  	[tilespmem:s16], [sflag:$0x3] =	stream.linear.gather [hbm4b:s9+s4], $0x2800, $0x38;
	[tilespmem:$0xC000] =	vst v63  }
0x29: {  	_ =	swait.ge [sflag:s13], $0x2800  }
0x2a: {  	[sflag:s13] =	ssyncset.done $0x0  }
0x2b: {  	[sflag:s13] =	ssyncadd.s32 $0xFFFFD800  }
0x2c: {  	[bflag:$0x0] =	sbarrier.arrive $0xFFFF  }
0x2d: {  	[tilespmem:s18], [sflag:$0x1] =	stream.indirect.gather [spmem:s3], $0x10, s15, s17, $0xb8;
	[tilespmem:$0xC000] =	vst v63  }
0x2e: {  	s21 =	simm.s32 $0x5080  }
0x2f: {  	[tilespmem:s20], [sflag:$0x1] =	stream.indirect.gather [spmem:s3], $0x10, s21, s17, $0xb8;
	[tilespmem:$0xC000] =	vst v63  }
0x30: {  	s31 =	simm.s32 $0x5100  }
0x31: {  	[tilespmem:s22], [sflag:$0x1] =	stream.indirect.gather [spmem:s3], $0x10, s31, s17, $0xb8;
	[tilespmem:$0xC000] =	vst v63  }
0x32: {  	_ =	swait.ge [sflag:s23], $0x800  }
0x33: {  	[sflag:s23] =	ssyncset.done $0x0  }
0x34: {  	[sflag:s23] =	ssyncadd.s32 $0xFFFFF800  }
0x35: {  	[spmem:s2] =	stream.indirect.scatter.add.f32 [tilespmem:s18], [sflag:$0x2], $0x10, s16, s17, $0xb8;
	[tilespmem:$0xC000] =	vst v63  }
0x36: {  	s24 =	simm.s32 $0x5180  }
0x37: {  	[tilespmem:s25], [sflag:$0x1] =	stream.indirect.gather [spmem:s3], $0x10, s24, s17, $0xb8;
	[tilespmem:$0xC000] =	vst v63  }
0x38: {  	_ =	swait.ge [sflag:s23], $0x800  }
0x39: {  	[sflag:s23] =	ssyncset.done $0x0  }
0x3a: {  	s26 =	simm.s32 $0x7880;
	[sflag:s23] =	ssyncadd.s32 $0xFFFFF800  }
0x3b: {  	[spmem:s2] =	stream.indirect.scatter.add.f32 [tilespmem:s20], [sflag:$0x2], $0x10, s26, s17, $0xb8;
	[tilespmem:$0xC000] =	vst v63  }
0x3c: {  	_ =	swait.ge [sflag:s28], $0x800  }
0x3d: {  	[sflag:s28] =	ssyncset.done $0x0  }
0x3e: {  	s29 =	simm.s32 $0x5200;
	[sflag:s28] =	ssyncadd.s32 $0xFFFFF800  }
0x3f: {  	[tilespmem:s18], [sflag:$0x1] =	stream.indirect.gather [spmem:s3], $0x10, s29, s17, $0xb8;
	[tilespmem:$0xC000] =	vst v63  }
0x40: {  	_ =	swait.ge [sflag:s23], $0x800  }
0x41: {  	[sflag:s23] =	ssyncset.done $0x0  }
0x42: {  	s30 =	simm.s32 $0x7900;
	[sflag:s23] =	ssyncadd.s32 $0xFFFFF800  }
0x43: {  	[spmem:s2] =	stream.indirect.scatter.add.f32 [tilespmem:s22], [sflag:$0x2], $0x10, s30, s17, $0xb8;
	[tilespmem:$0xC000] =	vst v63  }
0x44: {  	_ =	swait.ge [sflag:s28], $0x800  }
0x45: {  	[sflag:s28] =	ssyncset.done $0x0  }
0x46: {  	s31 =	simm.s32 $0x5280;
	[sflag:s28] =	ssyncadd.s32 $0xFFFFF800  }
0x47: {  	[tilespmem:s20], [sflag:$0x1] =	stream.indirect.gather [spmem:s3], $0x10, s31, s17, $0xb8;
	[tilespmem:$0xC000] =	vst v63  }
0x48: {  	_ =	swait.ge [sflag:s23], $0x800  }
0x49: {  	[sflag:s23] =	ssyncset.done $0x0  }
0x4a: {  	[sflag:s23] =	ssyncadd.s32 $0xFFFFF800  }
0x4b: {  	[spmem:s2] =	stream.indirect.scatter.add.f32 [tilespmem:s25], [sflag:$0x2], $0x10, s0, s17, $0xb8;
	[tilespmem:$0xC000] =	vst v63  }
0x4c: {  	_ =	swait.ge [sflag:s28], $0x800  }
0x4d: {  	[sflag:s28] =	ssyncset.done $0x0  }
0x4e: {  	s21 =	simm.s32 $0x0;
	[sflag:s28] =	ssyncadd.s32 $0xFFFFF800  }
0x4f: {  	[tilespmem:s22], [sflag:$0x1] =	stream.indirect.gather [spmem:s3], $0x10, s1, s17, $0xb8;
	[tilespmem:$0xC000] =	vst v63  }
.LBB2_2:
0x50: {  	_ =	swait.ge [sflag:s23], $0x800  }
0x51: {  	s24 =	sshra.s32 s21, $0x2;
	[sflag:s23] =	ssyncset.done $0x0  }
0x52: {  	s26 =	sadd.s32 $0x7A00, s24;
	[sflag:s23] =	ssyncadd.s32 $0xFFFFF800  }
0x53: {  	[spmem:s2] =	stream.indirect.scatter.add.f32 [tilespmem:s18], [sflag:$0x2], $0x10, s26, s17, $0xb8;
	[tilespmem:$0xC000] =	vst v63  }
0x54: {  	_ =	swait.ge [sflag:s28], $0x800  }
0x55: {  	[sflag:s28] =	ssyncset.done $0x0  }
0x56: {  	s29 =	sadd.s32 $0x5380, s24;
	[sflag:s28] =	ssyncadd.s32 $0xFFFFF800  }
0x57: {  	[tilespmem:s25], [sflag:$0x1] =	stream.indirect.gather [spmem:s3], $0x10, s29, s17, $0xb8;
	[tilespmem:$0xC000] =	vst v63  }
0x58: {  	_ =	swait.ge [sflag:s23], $0x800  }
0x59: {  	[sflag:s23] =	ssyncset.done $0x0  }
0x5a: {  	s30 =	sadd.s32 $0x7A80, s24;
	[sflag:s23] =	ssyncadd.s32 $0xFFFFF800  }
0x5b: {  	[spmem:s2] =	stream.indirect.scatter.add.f32 [tilespmem:s20], [sflag:$0x2], $0x10, s30, s17, $0xb8;
	[tilespmem:$0xC000] =	vst v63  }
0x5c: {  	_ =	swait.ge [sflag:s28], $0x800  }
0x5d: {  	p0 =	seq.s32 s21, $0x9000;
	[sflag:s28] =	ssyncset.done $0x0  }
0x5e: {  	s26 =	simm.s32 @p0 $0x1;
	[sflag:s28] =	ssyncadd.s32 $0xFFFFF800  }
0x5f: {  	_ =	swait.ge @p0 [sflag:s26], $0x800  }
0x60: {  	[sflag:s26] =	ssyncset.done @p0 $0x0  }
0x61: {  	[sflag:s26] =	ssyncadd.s32 @p0 $0xFFFFF800;
	s26 =	sshra.s32 @p0 s21, $0x2  }
0x62: {  	s29 =	simm.s32 @p0 $0x80;
	s30 =	simm.s32 @p0 $0xB000;
	s26 =	sadd.s32 @p0 $0x7B00, s26  }
0x63: {  	[spmem:s2] =	stream.indirect.scatter.add.f32 @p0 [tilespmem:s30], [sflag:$0x2], $0x10, s26, s29, $0xb8;
	[tilespmem:$0xC000] =	vst v63  }
0x64: {  	s26 =	simm.s32 @p0 $0x2  }
0x65: {  	_ =	swait.ge @p0 [sflag:s26], $0x800  }
0x66: {  	[sflag:s26] =	ssyncset.done @p0 $0x0  }
0x67: {  	[sflag:s26] =	ssyncadd.s32 @p0 $0xFFFFF800;
	s26 =	sshra.s32 @!p0 s21, $0x2  }
0x68: {  	s31 =	simm.s32 @!p0 $0xA000;
	s30 =	simm.s32 @!p0 $0x80;
	s29 =	sadd.s32 @!p0 $0x5400, s26  }
0x69: {  	[tilespmem:s31], [sflag:$0x1] =	stream.indirect.gather @!p0 [spmem:s3], $0x10, s29, s30, $0xb8;
	[tilespmem:$0xC000] =	vst v63  }
0x6a: {  	s29 =	simm.s32 @!p0 $0x1  }
0x6b: {  	_ =	swait.ge @!p0 [sflag:s29], $0x800  }
0x6c: {  	[sflag:s29] =	ssyncset.done @!p0 $0x0  }
0x6d: {  	s31 =	simm.s32 @!p0 $0xB000;
	[sflag:s29] =	ssyncadd.s32 @!p0 $0xFFFFF800;
	s29 =	sadd.s32 @!p0 $0x7B00, s26  }
0x6e: {  	[spmem:s2] =	stream.indirect.scatter.add.f32 @!p0 [tilespmem:s31], [sflag:$0x2], $0x10, s29, s30, $0xb8;
	[tilespmem:$0xC000] =	vst v63  }
0x6f: {  	s29 =	simm.s32 @!p0 $0x2  }
0x70: {  	_ =	swait.ge @!p0 [sflag:s29], $0x800  }
0x71: {  	[sflag:s29] =	ssyncset.done @!p0 $0x0  }
0x72: {  	s26 =	sadd.s32 @!p0 $0x5480, s26;
	[sflag:s29] =	ssyncadd.s32 @!p0 $0xFFFFF800;
	s29 =	simm.s32 @!p0 $0xA800  }
0x73: {  	[tilespmem:s29], [sflag:$0x1] =	stream.indirect.gather @!p0 [spmem:s3], $0x10, s26, s30, $0xb8;
	[tilespmem:$0xC000] =	vst v63  }
0x74: {  	_ =	swait.ge [sflag:s23], $0x800  }
0x75: {  	[sflag:s23] =	ssyncset.done $0x0  }
.Ltmp2:
0x76: {  	s31 =	sadd.s32 $0x7B80, s24;
	[sflag:s23] =	ssyncadd.s32 $0xFFFFF800;
	(pc) =	sbr.rel @p0 .LBB2_4-.Ltmp2, $4  }
0x77: {  	[spmem:s2] =	stream.indirect.scatter.add.f32 [tilespmem:s25], [sflag:$0x2], $0x10, s31, s17, $0xb8;
	[tilespmem:$0xC000] =	vst v63  }
0x78: {  	_ =	swait.ge [sflag:s28], $0x800  }
0x79: {  	[sflag:s28] =	ssyncset.done $0x0  }
0x7a: {  	[sflag:s28] =	ssyncadd.s32 $0xFFFFF800  }
.Ltmp3:
0x7b: {  	(pc) =	sbr.rel .LBB2_2-.Ltmp3, $3  }
0x7c: {  	_ =	sdelay $0x1  }
0x7d: {  	s24 =	sadd.s32 $0x5500, s24;
	s21 =	sadd.s32 $0x800, s21  }
0x7e: {  	[tilespmem:s22], [sflag:$0x1] =	stream.indirect.gather [spmem:s3], $0x10, s24, s17, $0xb8;
	[tilespmem:$0xC000] =	vst v63  }
.LBB2_5:
0x7f: {  	_ =	sfence.sel $0x180000  }
0x80: {  	[bflag:$0x0] =	sbarrier.arrive $0xFFFF  }
0x81: {  	_ =	strace $0x9000004A  }
0x82: {  	s0 =	stileid.u32;
	[bflag:$0x2] =	sbarrier.arrive $0xFFFF  }
0x83: {  	p0 =	sne.s32 s0, $0x0;
	s0 =	rddreg [dreg:$0x3]  }
0x84: {  	s0 =	sadd.s32 @!p0 $0x100000, s0  }
0x85: {  	[sflag:s0] =	ssyncadd.tile.s32 @!p0 $0x1;
	_ =	shalt  }
.Lfunc_end2:
_tile_overlayer_lowered:
.L_overlay_start_2:
0x86: {  	(tag) =	ssettag $0x2  }
0x87: {  	s0 =	rddreg [dreg:$0x0];
	s2 =	stileid.u32  }
0x88: {  	s1 =	rddreg [dreg:$0x1];
	p0 =	sne.s32 s2, $0x0  }
0x89: {  	s3 =	rddreg [dreg:$0x2];
	[bflag:$0x3] =	sbarrier.arrive $0xFFFF;
	s2 =	simm.s32 @!p0 $0x1C03  }
0x8a: {  	[timem:s3], [sflag:s2] =	dma.local @!p0 [hbm:s0], s1  }
0x8b: {  	s0 =	simm.s32 @!p0 $0x3  }
0x8c: {  	_ =	swait.ge @!p0 [sflag:s0], s1  }
0x8d: {  	s1 =	ssub.s32 @!p0 $0x0, s1;
	[sflag:s0] =	ssyncset.done @!p0 $0x0  }
0x8e: {  	[sflag:s0] =	ssyncadd.s32 @!p0 s1  }
0x8f: {  	[bflag:$0x3] =	sbarrier.arrive $0xFFFF  }
0x90: {  	_ =	shalt  }

// kernel: kernel.14.cloned.1.call-start
scs
__scs_entry_jumppad:
0x0: {  	(pc) =	sbr.rel $0x88, $3  }
0x1: {  	(tag) =	ssettag $0x0;
	lr =	simm.s32 $0x1  }
0x2: {  	[smem:$0x3F9B] =	sst lr;
	_ =	strace $0xD0000000  }
0x3: {  	_ = 	snop  }
0x4: {  	_ = 	snop  }
0x5: {  	_ = 	snop  }
0x6: {  	_ = 	snop  }
0x7: {  	_ = 	snop  }
__scs_overlays_trampoline_lowered:
0x8: {  	[smem:$0x3FAA] =	sst s0  }
0x9: {  	[smem:$0x3FAB] =	sst s1  }
0xa: {  	[smem:$0x3FAC] =	sst s2  }
0xb: {  	[smem:$0x3FAD] =	sst s3  }
0xc: {  	[smem:$0x3FAE] =	sst s4  }
0xd: {  	[smem:$0x3FAF] =	sst s5  }
0xe: {  	[smem:$0x3FB0] =	sst s6  }
0xf: {  	[smem:$0x3FB1] =	sst s7  }
0x10: {  	[smem:$0x3FB2] =	sst s8  }
0x11: {  	[smem:$0x3FB3] =	sst s9;
	s0 =	simm.s32 @!p0 $0x0  }
0x12: {  	s1 =	sld [smem:$0x3F99];
	s0 =	simm.s32 @p0 $0x1  }
0x13: {  	[smem:$0x3FB4] =	sst s0;
	s0 =	simm.s32 @!p1 $0x0  }
0x14: {  	s2 =	sld [smem:$0x3F98];
	s0 =	simm.s32 @p1 $0x1  }
0x15: {  	[smem:$0x3FB5] =	sst s0;
	s0 =	simm.s32 @!p2 $0x0  }
0x16: {  	s3 =	sld [smem:$0x3FDB];
	s0 =	simm.s32 @p2 $0x1  }
0x17: {  	s4 =	simm.s32 $0x1BF5;
	[smem:$0x3FB7] =	sst s0  }
0x18: {  	s0 =	sld [smem:$0x3F9A];
	_ =	swait.ge [sflag:s4], $0x0  }
0x19: {  	s7 =	sld [smem:$0x3F9B]  }
0x1a: {  	s8 =	sadd.s32 $0xFFFFE003, lr  }
0x1b: {  	s9 =	sadd.s32 $0xFFFFFEF7, lr;
	s5 =	simm.s32 $0xFFFFFFFF;
	p2 =	slt.u32 s8, $0xFFFFF086  }
0x1c: {  	p1 =	slt.u32 s9, $0xF7A;
	s5 =	simm.s32 @!p2 $0x0  }
0x1d: {  	s5 =	simm.s32 @p1 $0x1;
	p0 =	seq.s32 s7, s2  }
0x1e: {  	s7 =	smul.u32 @!p0 $0xF7A, s2;
	p2 =	seq.s32 @!p0 s5, $0x0  }
0x1f: {  	s9 =	smul.u32 $0xF7A, s1;
	s8 =	simm.s32 @!p0 $0x1BF5;
	p2 =	por !p2, p0  }
0x20: {  	[sflag:s8] =	ssyncset.s32 @!p0 $0xFFFFF086;
	s6 =	sadd.s32 @!p0 s3, s7;
	s7 =	simm.s32 @!p0 $0x108  }
0x21: {  	s3 =	sadd.s32 s3, s9;
	s6 =	sadd.s32 @!p0 $0x88, s6;
	s7 =	simm.s32 @p2 $0x1082  }
0x22: {  	[simem:s7], [sflag:s8] =	dma.local @!p0 [hbm:s6], $0xF7A  }
0x23: {  	s9 =	sor.u32 $0xD0000000, s2;
	s6 =	simm.s32 $0x108;
	_ =	swait.ge @!p0 [sflag:s8], $0x0  }
0x24: {  	s3 =	sadd.s32 $0x88, s3;
	s6 =	simm.s32 @!p1 $0x1082;
	[sflag:s4] =	ssyncset.s32 $0xFFFFF086  }
0x25: {  	[simem:s6], [sflag:s4] =	dma.local [hbm:s3], $0xF7A  }
0x26: {  	[smem:$0x3F9B] =	sst s1;
	(tag) =	ssettag s2;
	_ =	strace s9  }
0x27: {  	s1 =	sld [smem:$0x3FAB]  }
0x28: {  	s2 =	sld [smem:$0x3FAC]  }
0x29: {  	s4 =	sld [smem:$0x3FAE]  }
0x2a: {  	p0 =	seq.s32 s5, $0x0;
	s5 =	sld [smem:$0x3FAF]  }
0x2b: {  	s6 =	sld [smem:$0x3FB0]  }
0x2c: {  	s7 =	sld [smem:$0x3FB1]  }
0x2d: {  	s3 =	simm.s32 $0x108;
	s8 =	sld [smem:$0x3FB2]  }
0x2e: {  	s3 =	simm.s32 @!p0 $0x1082;
	s9 =	sld [smem:$0x3FB3]  }
0x2f: {  	lr =	sadd.s32 s0, s3;
	s0 =	sld [smem:$0x3FAA]  }
0x30: {  	s3 =	sld [smem:$0x3FAD]  }
0x31: {  	[smem:$0x3FB6] =	sst s10  }
0x32: {  	s10 =	sld [smem:$0x3FB4];
	_ =	sdelay $0x3  }
0x33: {  	p0 =	seq.s32 s10, $0x1;
	s10 =	sld [smem:$0x3FB6];
	_ =	sdelay $0x3  }
0x34: {  	[smem:$0x3FB6] =	sst s10  }
0x35: {  	s10 =	sld [smem:$0x3FB5];
	_ =	sdelay $0x3  }
0x36: {  	p1 =	seq.s32 s10, $0x1;
	s10 =	sld [smem:$0x3FB6];
	_ =	sdelay $0x3  }
0x37: {  	[smem:$0x3FB6] =	sst s10  }
0x38: {  	s10 =	sld [smem:$0x3FB7]  }
0x39: {  	_ = 	snop;
	(pc) =	sbr.ind lr, $3  }
0x3a: {  	_ = 	snop  }
0x3b: {  	_ = 	snop  }
0x3c: {  	p2 =	seq.s32 s10, $0x1;
	s10 =	sld [smem:$0x3FB6]  }
0x3d: {  	_ =	shalt  }
0x3e: {  	_ =	shalt  }
0x3f: {  	_ =	shalt  }
0x40: {  	_ =	shalt  }
0x41: {  	_ =	shalt  }
0x42: {  	_ =	shalt  }
0x43: {  	_ =	shalt  }
0x44: {  	_ =	shalt  }
0x45: {  	_ =	shalt  }
0x46: {  	_ =	shalt  }
0x47: {  	_ =	shalt  }
0x48: {  	_ =	shalt  }
0x49: {  	_ =	shalt  }
0x4a: {  	_ =	shalt  }
0x4b: {  	_ =	shalt  }
0x4c: {  	_ =	shalt  }
0x4d: {  	_ =	shalt  }
0x4e: {  	_ =	shalt  }
0x4f: {  	_ =	shalt  }
0x50: {  	_ =	shalt  }
0x51: {  	_ =	shalt  }
0x52: {  	_ =	shalt  }
0x53: {  	_ =	shalt  }
0x54: {  	_ =	shalt  }
0x55: {  	_ =	shalt  }
0x56: {  	_ =	shalt  }
0x57: {  	_ =	shalt  }
0x58: {  	_ =	shalt  }
0x59: {  	_ =	shalt  }
0x5a: {  	_ =	shalt  }
0x5b: {  	_ =	shalt  }
0x5c: {  	_ =	shalt  }
0x5d: {  	_ =	shalt  }
0x5e: {  	_ =	shalt  }
0x5f: {  	_ =	shalt  }
0x60: {  	_ =	shalt  }
0x61: {  	_ =	shalt  }
0x62: {  	_ =	shalt  }
0x63: {  	_ =	shalt  }
0x64: {  	_ =	shalt  }
0x65: {  	_ =	shalt  }
0x66: {  	_ =	shalt  }
0x67: {  	_ =	shalt  }
0x68: {  	_ =	shalt  }
0x69: {  	_ =	shalt  }
0x6a: {  	_ =	shalt  }
0x6b: {  	_ =	shalt  }
0x6c: {  	_ =	shalt  }
0x6d: {  	_ =	shalt  }
0x6e: {  	_ =	shalt  }
0x6f: {  	_ =	shalt  }
0x70: {  	_ =	shalt  }
0x71: {  	_ =	shalt  }
0x72: {  	_ =	shalt  }
0x73: {  	_ =	shalt  }
0x74: {  	_ =	shalt  }
0x75: {  	_ =	shalt  }
0x76: {  	_ =	shalt  }
0x77: {  	_ =	shalt  }
0x78: {  	_ =	shalt  }
0x79: {  	_ =	shalt  }
0x7a: {  	_ =	shalt  }
0x7b: {  	_ =	shalt  }
0x7c: {  	_ =	shalt  }
0x7d: {  	_ =	shalt  }
0x7e: {  	_ =	shalt  }
0x7f: {  	_ =	shalt  }
0x80: {  	_ =	shalt  }
0x81: {  	_ =	shalt  }
0x82: {  	_ =	shalt  }
0x83: {  	_ =	shalt  }
0x84: {  	_ =	shalt  }
0x85: {  	_ =	shalt  }
0x86: {  	_ =	shalt  }
0x87: {  	_ =	shalt  }
.Lfunc_end0:
.L_simem_size_0:
called_computation.2_lowered:
.L_overlay_start_0:
0x88: {  	s2 =	sld [smem:$0x3FD9]  }
0x89: {  	s3 =	sld [smem:$0x3FFE];
	_ =	sdelay $0x1  }
0x8a: {  	s1 =	srdreg.scid  }
0x8b: {  	s0 =	sand.u32 $0x1, s1  }
0x8c: {  	s16 =	sshll.u32 s0, $0xA;
	s2 =	sadd.s32 s3, s2  }
0x8d: {  	s2 =	sadd.s32 s2, s16  }
0x8e: {  	[smem:$0x3FC2] =	sst s2  }
0x8f: {  	_ = 	snop  }
0x90: {  	(tm) =	ssettm $0x1  }
0x91: {  	s17 =	sld [smem:$0x3FFB];
	_ =	sdelay $0x3  }
0x92: {  	_ =	strace s17  }
0x93: {  	s2 =	sld [smem:$0x3FFC];
	_ =	sdelay $0x3  }
0x94: {  	_ =	strace s2  }
0x95: {  	s2 =	sld [smem:$0x3FFD];
	_ =	sdelay $0x3  }
0x96: {  	_ =	strace s2  }
0x97: {  	_ =	strace $0x8FFFFFFF  }
0x98: {  	s18 =	sld [smem:$0x3FDB];
	_ =	sdelay $0x1  }
0x99: {  	s19 =	simm.s32 $_scs_section_size  }
0x9a: {  	s4 =	simm.s32 $_size__tile_overlayer_lowered;
	s5 =	simm.s32 $_tile_overlayer_lowered  }
0x9b: {  	s22 =	simm.s32 $0x1BFF;
	s21 =	sshll.u32 s5, $0x1;
	s2 =	sadd.s32 s19, s18  }
0x9c: {  	s6 =	simm.s32 $0x0;
	s20 =	sshll.u32 s4, $0x1;
	s4 =	sadd.s32 s21, s2  }
0x9d: {  	[timem:s6], [sflag:s22] =	dma.local [hbm:s4], s20  }
0x9e: {  	_ =	swait.ge [sflag:s22], s20  }
0x9f: {  	s3 =	ssub.s32 $0x0, s20;
	[sflag:s22] =	ssyncset.done $0x0  }
0xa0: {  	[sflag:s22] =	ssyncadd.s32 s3;
	_ =	sdelay $0x1  }
0xa1: {  	s23 =	simm.s32 $0x1B8B  }
0xa2: {  	_ =	swait.ge [sflag:s23], $0x1  }
0xa3: {  	[sflag:s23] =	ssyncset.done $0x0  }
0xa4: {  	s25 =	simm.s32 $0x1B8E;
	s24 =	sld [smem:$0x3FFE];
	[sflag:s23] =	ssyncadd.s32 $0xFFFFFFFF  }
0xa5: {  	s26 =	simm.s32 $execute0_lowered;
	[smem:$0x3FD2] =	sst s25  }
0xa6: {  	s4 =	sshll.u32 s26, $0x1;
	_ =	strace $0x8000004C;
	[dreg:$0x1] =	wrdreg $0xFFFFFFFF  }
0xa7: {  	s28 =	simm.s32 $_size_execute0_lowered;
	s2 =	sadd.s32 s2, s4;
	[dreg:$0x0] =	wrdreg $0x0  }
0xa8: {  	s4 =	sshll.u32 s28, $0x1;
	[dreg:$0x2] =	wrdreg s2  }
0xa9: {  	[dreg:$0x3] =	wrdreg s4  }
0xaa: {  	[dreg:$0x4] =	wrdreg $0xC0  }
0xab: {  	_ =	task [dreg:s6], $0x5FFFF  }
0xac: {  	[dreg:$0x1] =	wrdreg $0xFFFFFFFF  }
0xad: {  	[dreg:$0x0] =	wrdreg $0x60  }
0xae: {  	[dreg:$0x2] =	wrdreg s24  }
0xaf: {  	[dreg:$0x3] =	wrdreg $0x0  }
0xb0: {  	[dreg:$0x4] =	wrdreg $0x28000  }
0xb1: {  	[dreg:$0x5] =	wrdreg $0x9  }
0xb2: {  	_ =	task.clear_ibuf [dreg:s6], $0x6FFFF;
	_ =	strace $0x9000004C  }
0xb3: {  	s29 =	simm.s32 $0x9;
	_ =	strace $0x8000004E  }
0xb4: {  	_ =	swait.ge [sflag:s29], $0x1  }
0xb5: {  	[sflag:s29] =	ssyncadd.s32 $0xFFFFFFFF  }
0xb6: {  	_ =	strace $0x9000004E  }
0xb7: {  	_ =	sfence  }
0xb8: {  	s30 =	sld [smem:$0x0];
	_ =	sdelay $0x2  }
0xb9: {  	s31 =	sshll.u32 s1, $0xD;
	s1 =	sshrl.u32 s1, $0x2  }
0xba: {  	s3 =	sand.u32 $0x4000, s31;
	s1 =	sadd.s32 s1, s30  }
0xbb: {  	s0 =	sor.u32 s3, s0;
	s1 =	sshll.u32 s1, $0x11  }
0xbc: {  	s0 =	sor.u32 s1, s0  }
0xbd: {  	s0 =	sadd.s32 $0x8F2B, s0  }
0xbe: {  	[sflag:s0] =	ssyncadd.remote.s32 $0x1  }
0xbf: {  	_ =	sfence.sel $0xFFFF  }
0xc0: {  	[dreg:$0x0] =	wrdreg $0xFFFFFFFF;
	(pc) =	sbr.abs _section_cstart, $3  }
0xc1: {  	[dreg:$0x1] =	wrdreg $0xFFFFFFFF  }
0xc2: {  	_ =	task.clear_ibuf [dreg:s6], $0x2FFFF;
	_ =	strace $0x9FFFFFFF  }
0xc3: {  	(tm) =	ssettm $0x7FFFFFFF  }
tec
execute0_lowered:
.L_overlay_start_1:
0x0: {  	(tag) =	ssettag $0x1  }
0x1: {  	s0 =	rddreg [dreg:$0x0]  }
0x2: {  	s2 =	rddreg [dreg:$0x1]  }
0x3: {  	s3 =	rddreg [dreg:$0x2]  }
0x4: {  	s10 =	stileid.u32;
	s1 =	srdreg.scid  }
0x5: {  	s4 =	simm.s32 $0x0;
	s13 =	simm.s32 $0x3;
	s15 =	simm.s32 $0x5000  }
0x6: {  	s16 =	simm.s32 $0x7800;
	s17 =	simm.s32 $0x80;
	s18 =	simm.s32 $0xA000  }
0x7: {  	s20 =	simm.s32 $0xA800;
	s22 =	simm.s32 $0xB000;
	s23 =	simm.s32 $0x1  }
0x8: {  	s25 =	simm.s32 $0xB800;
	s28 =	simm.s32 $0x2;
	s19 =	simm.s32 $0x0  }
0x9: {  	s7 =	smul.u32 $0x2800, s10;
	s1 =	sand.u32 $0x1, s1;
	s5 =	sshll.u32 s10, $0x1  }
0xa: {  	[smem:$0x7FF] =	sst s4;
	s31 =	sshll.u32 s10, $0x6;
	s5 =	sor.u32 s1, s5  }
0xb: {  	s6 =	smul.u32 $0x28000, s1;
	_ =	strace $0x8000004D;
	s1 =	ssub.s32 $0x2, s1  }
0xc: {  	s8 =	sshrl.u32 s7, $0x3;
	s5 =	smul.u32 $0x2800, s5;
	s30 =	sshrl.u32 s1, $0x1  }
0xd: {  	s12 =	sadd.s32 s7, s2;
	s14 =	sadd.s32 s7, s3;
	s8 =	sadd.s32 s8, s0  }
0xe: {  	s6 =	sadd.s32 s7, s6;
	s1 =	ssub.s32 s1, s30;
	s12 =	sshrl.u32 s12, $0x3  }
.Ltmp0:
0xf: {  	s14 =	sshrl.u32 s14, $0x3;
	s5 =	sshrl.u32 s5, $0x3;
	(pc) =	sbr.rel .LBB2_1-.Ltmp0, $4  }
0x10: {  	s6 =	sshrl.u32 s6, $0x3;
	s7 =	sadd.s32 $0x1BE00, s8;
	s11 =	smax.u32 s1, $0x1  }
0x11: {  	s1 =	simm.s32 $0x5300;
	s9 =	sadd.s32 s5, s0;
	s0 =	sadd.s32 s6, s0  }
0x12: {  	s5 =	sadd.s32 $0x16E00, s8;
	s6 =	sor.u32 $0x1C03, s31;
	s8 =	sadd.s32 $0x2E00, s9  }
0x13: {  	s9 =	sadd.s32 $0xCE00, s9;
	s10 =	sadd.s32 $0x20E00, s0;
	s0 =	simm.s32 $0x7980  }
.LBB2_4:
0x14: {  	_ =	swait.ge [sflag:s28], $0x800  }
0x15: {  	s19 =	sadd.s32 $0x1, s19;
	[sflag:s28] =	ssyncset.done $0x0  }
0x16: {  	p0 =	sne.s32 s19, s11;
	[sflag:s28] =	ssyncadd.s32 $0xFFFFF800  }
.Ltmp1:
0x17: {  	[bflag:$0x0] =	sbarrier.arrive $0xFFFF;
	(pc) =	sbr.rel @!p0 .LBB2_5-.Ltmp1, $4  }
0x18: {  	[hbm:s10], [sflag:s6] =	dma.local [spmem:s12], $0x500  }
0x19: {  	_ =	swait.ge [sflag:s13], $0x500  }
0x1a: {  	[sflag:s13] =	ssyncset.done $0x0  }
0x1b: {  	[sflag:s13] =	ssyncadd.s32 $0xFFFFFB00  }
.LBB2_1:
0x1c: {  	[spmem:s12], [sflag:s6] =	dma.local [hbm:s5], $0x500  }
0x1d: {  	_ =	swait.ge [sflag:s13], $0x500  }
0x1e: {  	[sflag:s13] =	ssyncset.done $0x0  }
0x1f: {  	[sflag:s13] =	ssyncadd.s32 $0xFFFFFB00  }
0x20: {  	[spmem:s14], [sflag:s6] =	dma.local [hbm:s7], $0x500  }
0x21: {  	_ =	swait.ge [sflag:s13], $0x500  }
0x22: {  	[sflag:s13] =	ssyncset.done $0x0  }
0x23: {  	[sflag:s13] =	ssyncadd.s32 $0xFFFFFB00  }
0x24: {  	[tilespmem:s15], [sflag:$0x3] =	stream.linear.gather [hbm4b:s8+s4], $0x2800, $0x38;
	[tilespmem:$0xC000] =	vst v63  }
0x25: {  	_ =	swait.ge [sflag:s13], $0x2800  }
0x26: {  	[sflag:s13] =	ssyncset.done $0x0  }
0x27: {  	[sflag:s13] =	ssyncadd.s32 $0xFFFFD800  }
0x28: {  	[tilespmem:s16], [sflag:$0x3] =	stream.linear.gather [hbm4b:s9+s4], $0x2800, $0x38;
	[tilespmem:$0xC000] =	vst v63  }
0x29: {  	_ =	swait.ge [sflag:s13], $0x2800  }
0x2a: {  	[sflag:s13] =	ssyncset.done $0x0  }
0x2b: {  	[sflag:s13] =	ssyncadd.s32 $0xFFFFD800  }
0x2c: {  	[bflag:$0x0] =	sbarrier.arrive $0xFFFF  }
0x2d: {  	[tilespmem:s18], [sflag:$0x1] =	stream.indirect.gather [spmem:s3], $0x10, s15, s17, $0xb8;
	[tilespmem:$0xC000] =	vst v63  }
0x2e: {  	s21 =	simm.s32 $0x5080  }
0x2f: {  	[tilespmem:s20], [sflag:$0x1] =	stream.indirect.gather [spmem:s3], $0x10, s21, s17, $0xb8;
	[tilespmem:$0xC000] =	vst v63  }
0x30: {  	s31 =	simm.s32 $0x5100  }
0x31: {  	[tilespmem:s22], [sflag:$0x1] =	stream.indirect.gather [spmem:s3], $0x10, s31, s17, $0xb8;
	[tilespmem:$0xC000] =	vst v63  }
0x32: {  	_ =	swait.ge [sflag:s23], $0x800  }
0x33: {  	[sflag:s23] =	ssyncset.done $0x0  }
0x34: {  	[sflag:s23] =	ssyncadd.s32 $0xFFFFF800  }
0x35: {  	[spmem:s2] =	stream.indirect.scatter.add.f32 [tilespmem:s18], [sflag:$0x2], $0x10, s16, s17, $0xb8;
	[tilespmem:$0xC000] =	vst v63  }
0x36: {  	s24 =	simm.s32 $0x5180  }
0x37: {  	[tilespmem:s25], [sflag:$0x1] =	stream.indirect.gather [spmem:s3], $0x10, s24, s17, $0xb8;
	[tilespmem:$0xC000] =	vst v63  }
0x38: {  	_ =	swait.ge [sflag:s23], $0x800  }
0x39: {  	[sflag:s23] =	ssyncset.done $0x0  }
0x3a: {  	s26 =	simm.s32 $0x7880;
	[sflag:s23] =	ssyncadd.s32 $0xFFFFF800  }
0x3b: {  	[spmem:s2] =	stream.indirect.scatter.add.f32 [tilespmem:s20], [sflag:$0x2], $0x10, s26, s17, $0xb8;
	[tilespmem:$0xC000] =	vst v63  }
0x3c: {  	_ =	swait.ge [sflag:s28], $0x800  }
0x3d: {  	[sflag:s28] =	ssyncset.done $0x0  }
0x3e: {  	s29 =	simm.s32 $0x5200;
	[sflag:s28] =	ssyncadd.s32 $0xFFFFF800  }
0x3f: {  	[tilespmem:s18], [sflag:$0x1] =	stream.indirect.gather [spmem:s3], $0x10, s29, s17, $0xb8;
	[tilespmem:$0xC000] =	vst v63  }
0x40: {  	_ =	swait.ge [sflag:s23], $0x800  }
0x41: {  	[sflag:s23] =	ssyncset.done $0x0  }
0x42: {  	s30 =	simm.s32 $0x7900;
	[sflag:s23] =	ssyncadd.s32 $0xFFFFF800  }
0x43: {  	[spmem:s2] =	stream.indirect.scatter.add.f32 [tilespmem:s22], [sflag:$0x2], $0x10, s30, s17, $0xb8;
	[tilespmem:$0xC000] =	vst v63  }
0x44: {  	_ =	swait.ge [sflag:s28], $0x800  }
0x45: {  	[sflag:s28] =	ssyncset.done $0x0  }
0x46: {  	s31 =	simm.s32 $0x5280;
	[sflag:s28] =	ssyncadd.s32 $0xFFFFF800  }
0x47: {  	[tilespmem:s20], [sflag:$0x1] =	stream.indirect.gather [spmem:s3], $0x10, s31, s17, $0xb8;
	[tilespmem:$0xC000] =	vst v63  }
0x48: {  	_ =	swait.ge [sflag:s23], $0x800  }
0x49: {  	[sflag:s23] =	ssyncset.done $0x0  }
0x4a: {  	[sflag:s23] =	ssyncadd.s32 $0xFFFFF800  }
0x4b: {  	[spmem:s2] =	stream.indirect.scatter.add.f32 [tilespmem:s25], [sflag:$0x2], $0x10, s0, s17, $0xb8;
	[tilespmem:$0xC000] =	vst v63  }
0x4c: {  	_ =	swait.ge [sflag:s28], $0x800  }
0x4d: {  	[sflag:s28] =	ssyncset.done $0x0  }
0x4e: {  	s21 =	simm.s32 $0x0;
	[sflag:s28] =	ssyncadd.s32 $0xFFFFF800  }
0x4f: {  	[tilespmem:s22], [sflag:$0x1] =	stream.indirect.gather [spmem:s3], $0x10, s1, s17, $0xb8;
	[tilespmem:$0xC000] =	vst v63  }
.LBB2_2:
0x50: {  	_ =	swait.ge [sflag:s23], $0x800  }
0x51: {  	s24 =	sshra.s32 s21, $0x2;
	[sflag:s23] =	ssyncset.done $0x0  }
0x52: {  	s26 =	sadd.s32 $0x7A00, s24;
	[sflag:s23] =	ssyncadd.s32 $0xFFFFF800  }
0x53: {  	[spmem:s2] =	stream.indirect.scatter.add.f32 [tilespmem:s18], [sflag:$0x2], $0x10, s26, s17, $0xb8;
	[tilespmem:$0xC000] =	vst v63  }
0x54: {  	_ =	swait.ge [sflag:s28], $0x800  }
0x55: {  	[sflag:s28] =	ssyncset.done $0x0  }
0x56: {  	s29 =	sadd.s32 $0x5380, s24;
	[sflag:s28] =	ssyncadd.s32 $0xFFFFF800  }
0x57: {  	[tilespmem:s25], [sflag:$0x1] =	stream.indirect.gather [spmem:s3], $0x10, s29, s17, $0xb8;
	[tilespmem:$0xC000] =	vst v63  }
0x58: {  	_ =	swait.ge [sflag:s23], $0x800  }
0x59: {  	[sflag:s23] =	ssyncset.done $0x0  }
0x5a: {  	s30 =	sadd.s32 $0x7A80, s24;
	[sflag:s23] =	ssyncadd.s32 $0xFFFFF800  }
0x5b: {  	[spmem:s2] =	stream.indirect.scatter.add.f32 [tilespmem:s20], [sflag:$0x2], $0x10, s30, s17, $0xb8;
	[tilespmem:$0xC000] =	vst v63  }
0x5c: {  	_ =	swait.ge [sflag:s28], $0x800  }
0x5d: {  	p0 =	seq.s32 s21, $0x9000;
	[sflag:s28] =	ssyncset.done $0x0  }
0x5e: {  	s26 =	simm.s32 @p0 $0x1;
	[sflag:s28] =	ssyncadd.s32 $0xFFFFF800  }
0x5f: {  	_ =	swait.ge @p0 [sflag:s26], $0x800  }
0x60: {  	[sflag:s26] =	ssyncset.done @p0 $0x0  }
0x61: {  	[sflag:s26] =	ssyncadd.s32 @p0 $0xFFFFF800;
	s26 =	sshra.s32 @p0 s21, $0x2  }
0x62: {  	s29 =	simm.s32 @p0 $0x80;
	s30 =	simm.s32 @p0 $0xB000;
	s26 =	sadd.s32 @p0 $0x7B00, s26  }
0x63: {  	[spmem:s2] =	stream.indirect.scatter.add.f32 @p0 [tilespmem:s30], [sflag:$0x2], $0x10, s26, s29, $0xb8;
	[tilespmem:$0xC000] =	vst v63  }
0x64: {  	s26 =	simm.s32 @p0 $0x2  }
0x65: {  	_ =	swait.ge @p0 [sflag:s26], $0x800  }
0x66: {  	[sflag:s26] =	ssyncset.done @p0 $0x0  }
0x67: {  	[sflag:s26] =	ssyncadd.s32 @p0 $0xFFFFF800;
	s26 =	sshra.s32 @!p0 s21, $0x2  }
0x68: {  	s31 =	simm.s32 @!p0 $0xA000;
	s30 =	simm.s32 @!p0 $0x80;
	s29 =	sadd.s32 @!p0 $0x5400, s26  }
0x69: {  	[tilespmem:s31], [sflag:$0x1] =	stream.indirect.gather @!p0 [spmem:s3], $0x10, s29, s30, $0xb8;
	[tilespmem:$0xC000] =	vst v63  }
0x6a: {  	s29 =	simm.s32 @!p0 $0x1  }
0x6b: {  	_ =	swait.ge @!p0 [sflag:s29], $0x800  }
0x6c: {  	[sflag:s29] =	ssyncset.done @!p0 $0x0  }
0x6d: {  	s31 =	simm.s32 @!p0 $0xB000;
	[sflag:s29] =	ssyncadd.s32 @!p0 $0xFFFFF800;
	s29 =	sadd.s32 @!p0 $0x7B00, s26  }
0x6e: {  	[spmem:s2] =	stream.indirect.scatter.add.f32 @!p0 [tilespmem:s31], [sflag:$0x2], $0x10, s29, s30, $0xb8;
	[tilespmem:$0xC000] =	vst v63  }
0x6f: {  	s29 =	simm.s32 @!p0 $0x2  }
0x70: {  	_ =	swait.ge @!p0 [sflag:s29], $0x800  }
0x71: {  	[sflag:s29] =	ssyncset.done @!p0 $0x0  }
0x72: {  	s26 =	sadd.s32 @!p0 $0x5480, s26;
	[sflag:s29] =	ssyncadd.s32 @!p0 $0xFFFFF800;
	s29 =	simm.s32 @!p0 $0xA800  }
0x73: {  	[tilespmem:s29], [sflag:$0x1] =	stream.indirect.gather @!p0 [spmem:s3], $0x10, s26, s30, $0xb8;
	[tilespmem:$0xC000] =	vst v63  }
0x74: {  	_ =	swait.ge [sflag:s23], $0x800  }
0x75: {  	[sflag:s23] =	ssyncset.done $0x0  }
.Ltmp2:
0x76: {  	s31 =	sadd.s32 $0x7B80, s24;
	[sflag:s23] =	ssyncadd.s32 $0xFFFFF800;
	(pc) =	sbr.rel @p0 .LBB2_4-.Ltmp2, $4  }
0x77: {  	[spmem:s2] =	stream.indirect.scatter.add.f32 [tilespmem:s25], [sflag:$0x2], $0x10, s31, s17, $0xb8;
	[tilespmem:$0xC000] =	vst v63  }
0x78: {  	_ =	swait.ge [sflag:s28], $0x800  }
0x79: {  	[sflag:s28] =	ssyncset.done $0x0  }
0x7a: {  	[sflag:s28] =	ssyncadd.s32 $0xFFFFF800  }
.Ltmp3:
0x7b: {  	(pc) =	sbr.rel .LBB2_2-.Ltmp3, $3  }
0x7c: {  	_ =	sdelay $0x1  }
0x7d: {  	s24 =	sadd.s32 $0x5500, s24;
	s21 =	sadd.s32 $0x800, s21  }
0x7e: {  	[tilespmem:s22], [sflag:$0x1] =	stream.indirect.gather [spmem:s3], $0x10, s24, s17, $0xb8;
	[tilespmem:$0xC000] =	vst v63  }
.LBB2_5:
0x7f: {  	_ =	sfence.sel $0x180000  }
0x80: {  	[bflag:$0x0] =	sbarrier.arrive $0xFFFF  }
0x81: {  	_ =	strace $0x9000004D  }
0x82: {  	s0 =	stileid.u32;
	[bflag:$0x2] =	sbarrier.arrive $0xFFFF  }
0x83: {  	p0 =	sne.s32 s0, $0x0;
	s0 =	rddreg [dreg:$0x3]  }
0x84: {  	s0 =	sadd.s32 @!p0 $0x100000, s0  }
0x85: {  	[sflag:s0] =	ssyncadd.tile.s32 @!p0 $0x1;
	_ =	shalt  }
.Lfunc_end2:
_tile_overlayer_lowered:
.L_overlay_start_2:
0x86: {  	(tag) =	ssettag $0x2  }
0x87: {  	s0 =	rddreg [dreg:$0x0];
	s2 =	stileid.u32  }
0x88: {  	s1 =	rddreg [dreg:$0x1];
	p0 =	sne.s32 s2, $0x0  }
0x89: {  	s3 =	rddreg [dreg:$0x2];
	[bflag:$0x3] =	sbarrier.arrive $0xFFFF;
	s2 =	simm.s32 @!p0 $0x1C03  }
0x8a: {  	[timem:s3], [sflag:s2] =	dma.local @!p0 [hbm:s0], s1  }
0x8b: {  	s0 =	simm.s32 @!p0 $0x3  }
0x8c: {  	_ =	swait.ge @!p0 [sflag:s0], s1  }
0x8d: {  	s1 =	ssub.s32 @!p0 $0x0, s1;
	[sflag:s0] =	ssyncset.done @!p0 $0x0  }
0x8e: {  	[sflag:s0] =	ssyncadd.s32 @!p0 s1  }
0x8f: {  	[bflag:$0x3] =	sbarrier.arrive $0xFFFF  }
0x90: {  	_ =	shalt  }

// kernel: kernel.8.cloned.1.call-start
scs
__scs_entry_jumppad:
0x0: {  	(pc) =	sbr.rel $0x88, $3  }
0x1: {  	(tag) =	ssettag $0x0;
	lr =	simm.s32 $0x1  }
0x2: {  	[smem:$0x3F9B] =	sst lr;
	_ =	strace $0xD0000000  }
0x3: {  	_ = 	snop  }
0x4: {  	_ = 	snop  }
0x5: {  	_ = 	snop  }
0x6: {  	_ = 	snop  }
0x7: {  	_ = 	snop  }
__scs_overlays_trampoline_lowered:
0x8: {  	[smem:$0x3FAA] =	sst s0  }
0x9: {  	[smem:$0x3FAB] =	sst s1  }
0xa: {  	[smem:$0x3FAC] =	sst s2  }
0xb: {  	[smem:$0x3FAD] =	sst s3  }
0xc: {  	[smem:$0x3FAE] =	sst s4  }
0xd: {  	[smem:$0x3FAF] =	sst s5  }
0xe: {  	[smem:$0x3FB0] =	sst s6  }
0xf: {  	[smem:$0x3FB1] =	sst s7  }
0x10: {  	[smem:$0x3FB2] =	sst s8  }
0x11: {  	[smem:$0x3FB3] =	sst s9;
	s0 =	simm.s32 @!p0 $0x0  }
0x12: {  	s1 =	sld [smem:$0x3F99];
	s0 =	simm.s32 @p0 $0x1  }
0x13: {  	[smem:$0x3FB4] =	sst s0;
	s0 =	simm.s32 @!p1 $0x0  }
0x14: {  	s2 =	sld [smem:$0x3F98];
	s0 =	simm.s32 @p1 $0x1  }
0x15: {  	[smem:$0x3FB5] =	sst s0;
	s0 =	simm.s32 @!p2 $0x0  }
0x16: {  	s3 =	sld [smem:$0x3FDB];
	s0 =	simm.s32 @p2 $0x1  }
0x17: {  	s4 =	simm.s32 $0x1BF5;
	[smem:$0x3FB7] =	sst s0  }
0x18: {  	s0 =	sld [smem:$0x3F9A];
	_ =	swait.ge [sflag:s4], $0x0  }
0x19: {  	s7 =	sld [smem:$0x3F9B]  }
0x1a: {  	s8 =	sadd.s32 $0xFFFFE003, lr  }
0x1b: {  	s9 =	sadd.s32 $0xFFFFFEF7, lr;
	s5 =	simm.s32 $0xFFFFFFFF;
	p2 =	slt.u32 s8, $0xFFFFF086  }
0x1c: {  	p1 =	slt.u32 s9, $0xF7A;
	s5 =	simm.s32 @!p2 $0x0  }
0x1d: {  	s5 =	simm.s32 @p1 $0x1;
	p0 =	seq.s32 s7, s2  }
0x1e: {  	s7 =	smul.u32 @!p0 $0xF7A, s2;
	p2 =	seq.s32 @!p0 s5, $0x0  }
0x1f: {  	s9 =	smul.u32 $0xF7A, s1;
	s8 =	simm.s32 @!p0 $0x1BF5;
	p2 =	por !p2, p0  }
0x20: {  	[sflag:s8] =	ssyncset.s32 @!p0 $0xFFFFF086;
	s6 =	sadd.s32 @!p0 s3, s7;
	s7 =	simm.s32 @!p0 $0x108  }
0x21: {  	s3 =	sadd.s32 s3, s9;
	s6 =	sadd.s32 @!p0 $0x88, s6;
	s7 =	simm.s32 @p2 $0x1082  }
0x22: {  	[simem:s7], [sflag:s8] =	dma.local @!p0 [hbm:s6], $0xF7A  }
0x23: {  	s9 =	sor.u32 $0xD0000000, s2;
	s6 =	simm.s32 $0x108;
	_ =	swait.ge @!p0 [sflag:s8], $0x0  }
0x24: {  	s3 =	sadd.s32 $0x88, s3;
	s6 =	simm.s32 @!p1 $0x1082;
	[sflag:s4] =	ssyncset.s32 $0xFFFFF086  }
0x25: {  	[simem:s6], [sflag:s4] =	dma.local [hbm:s3], $0xF7A  }
0x26: {  	[smem:$0x3F9B] =	sst s1;
	(tag) =	ssettag s2;
	_ =	strace s9  }
0x27: {  	s1 =	sld [smem:$0x3FAB]  }
0x28: {  	s2 =	sld [smem:$0x3FAC]  }
0x29: {  	s4 =	sld [smem:$0x3FAE]  }
0x2a: {  	p0 =	seq.s32 s5, $0x0;
	s5 =	sld [smem:$0x3FAF]  }
0x2b: {  	s6 =	sld [smem:$0x3FB0]  }
0x2c: {  	s7 =	sld [smem:$0x3FB1]  }
0x2d: {  	s3 =	simm.s32 $0x108;
	s8 =	sld [smem:$0x3FB2]  }
0x2e: {  	s3 =	simm.s32 @!p0 $0x1082;
	s9 =	sld [smem:$0x3FB3]  }
0x2f: {  	lr =	sadd.s32 s0, s3;
	s0 =	sld [smem:$0x3FAA]  }
0x30: {  	s3 =	sld [smem:$0x3FAD]  }
0x31: {  	[smem:$0x3FB6] =	sst s10  }
0x32: {  	s10 =	sld [smem:$0x3FB4];
	_ =	sdelay $0x3  }
0x33: {  	p0 =	seq.s32 s10, $0x1;
	s10 =	sld [smem:$0x3FB6];
	_ =	sdelay $0x3  }
0x34: {  	[smem:$0x3FB6] =	sst s10  }
0x35: {  	s10 =	sld [smem:$0x3FB5];
	_ =	sdelay $0x3  }
0x36: {  	p1 =	seq.s32 s10, $0x1;
	s10 =	sld [smem:$0x3FB6];
	_ =	sdelay $0x3  }
0x37: {  	[smem:$0x3FB6] =	sst s10  }
0x38: {  	s10 =	sld [smem:$0x3FB7]  }
0x39: {  	_ = 	snop;
	(pc) =	sbr.ind lr, $3  }
0x3a: {  	_ = 	snop  }
0x3b: {  	_ = 	snop  }
0x3c: {  	p2 =	seq.s32 s10, $0x1;
	s10 =	sld [smem:$0x3FB6]  }
0x3d: {  	_ =	shalt  }
0x3e: {  	_ =	shalt  }
0x3f: {  	_ =	shalt  }
0x40: {  	_ =	shalt  }
0x41: {  	_ =	shalt  }
0x42: {  	_ =	shalt  }
0x43: {  	_ =	shalt  }
0x44: {  	_ =	shalt  }
0x45: {  	_ =	shalt  }
0x46: {  	_ =	shalt  }
0x47: {  	_ =	shalt  }
0x48: {  	_ =	shalt  }
0x49: {  	_ =	shalt  }
0x4a: {  	_ =	shalt  }
0x4b: {  	_ =	shalt  }
0x4c: {  	_ =	shalt  }
0x4d: {  	_ =	shalt  }
0x4e: {  	_ =	shalt  }
0x4f: {  	_ =	shalt  }
0x50: {  	_ =	shalt  }
0x51: {  	_ =	shalt  }
0x52: {  	_ =	shalt  }
0x53: {  	_ =	shalt  }
0x54: {  	_ =	shalt  }
0x55: {  	_ =	shalt  }
0x56: {  	_ =	shalt  }
0x57: {  	_ =	shalt  }
0x58: {  	_ =	shalt  }
0x59: {  	_ =	shalt  }
0x5a: {  	_ =	shalt  }
0x5b: {  	_ =	shalt  }
0x5c: {  	_ =	shalt  }
0x5d: {  	_ =	shalt  }
0x5e: {  	_ =	shalt  }
0x5f: {  	_ =	shalt  }
0x60: {  	_ =	shalt  }
0x61: {  	_ =	shalt  }
0x62: {  	_ =	shalt  }
0x63: {  	_ =	shalt  }
0x64: {  	_ =	shalt  }
0x65: {  	_ =	shalt  }
0x66: {  	_ =	shalt  }
0x67: {  	_ =	shalt  }
0x68: {  	_ =	shalt  }
0x69: {  	_ =	shalt  }
0x6a: {  	_ =	shalt  }
0x6b: {  	_ =	shalt  }
0x6c: {  	_ =	shalt  }
0x6d: {  	_ =	shalt  }
0x6e: {  	_ =	shalt  }
0x6f: {  	_ =	shalt  }
0x70: {  	_ =	shalt  }
0x71: {  	_ =	shalt  }
0x72: {  	_ =	shalt  }
0x73: {  	_ =	shalt  }
0x74: {  	_ =	shalt  }
0x75: {  	_ =	shalt  }
0x76: {  	_ =	shalt  }
0x77: {  	_ =	shalt  }
0x78: {  	_ =	shalt  }
0x79: {  	_ =	shalt  }
0x7a: {  	_ =	shalt  }
0x7b: {  	_ =	shalt  }
0x7c: {  	_ =	shalt  }
0x7d: {  	_ =	shalt  }
0x7e: {  	_ =	shalt  }
0x7f: {  	_ =	shalt  }
0x80: {  	_ =	shalt  }
0x81: {  	_ =	shalt  }
0x82: {  	_ =	shalt  }
0x83: {  	_ =	shalt  }
0x84: {  	_ =	shalt  }
0x85: {  	_ =	shalt  }
0x86: {  	_ =	shalt  }
0x87: {  	_ =	shalt  }
.Lfunc_end0:
.L_simem_size_0:
called_computation_lowered:
.L_overlay_start_0:
0x88: {  	s2 =	sld [smem:$0x3FD9]  }
0x89: {  	s3 =	sld [smem:$0x3FFE];
	_ =	sdelay $0x1  }
0x8a: {  	s1 =	srdreg.scid  }
0x8b: {  	s0 =	sand.u32 $0x1, s1  }
0x8c: {  	s17 =	sshll.u32 s0, $0xA;
	s2 =	sadd.s32 s3, s2  }
0x8d: {  	s2 =	sadd.s32 s2, s17  }
0x8e: {  	[smem:$0x3FC2] =	sst s2  }
0x8f: {  	_ = 	snop  }
0x90: {  	s2 =	sld [smem:$0x3FD0];
	(tm) =	ssettm $0x1  }
0x91: {  	s18 =	sld [smem:$0x3FFB];
	_ =	sdelay $0x3  }
0x92: {  	_ =	strace s18  }
0x93: {  	s3 =	sld [smem:$0x3FFC];
	_ =	sdelay $0x3  }
0x94: {  	_ =	strace s3  }
0x95: {  	s3 =	sld [smem:$0x3FFD];
	_ =	sdelay $0x3  }
0x96: {  	_ =	strace s3  }
0x97: {  	_ =	strace $0x8FFFFFFF  }
0x98: {  	s19 =	sld [smem:$0x3FDB];
	_ =	sdelay $0x1  }
0x99: {  	s4 =	simm.s32 $_scs_section_size  }
0x9a: {  	s5 =	simm.s32 $_size__tile_overlayer_lowered;
	s6 =	simm.s32 $_tile_overlayer_lowered  }
0x9b: {  	s22 =	simm.s32 $0x1BFF;
	s21 =	sshll.u32 s6, $0x1;
	s3 =	sadd.s32 s4, s19  }
0x9c: {  	s7 =	simm.s32 $0x0;
	s20 =	sshll.u32 s5, $0x1;
	s5 =	sadd.s32 s21, s3  }
0x9d: {  	[timem:s7], [sflag:s22] =	dma.local [hbm:s5], s20  }
0x9e: {  	_ =	swait.ge [sflag:s22], s20  }
0x9f: {  	s4 =	ssub.s32 $0x0, s20;
	[sflag:s22] =	ssyncset.done $0x0  }
0xa0: {  	[sflag:s22] =	ssyncadd.s32 s4;
	_ =	sdelay $0x1  }
0xa1: {  	s23 =	simm.s32 $0x1B8B  }
0xa2: {  	_ =	swait.ge [sflag:s23], $0x1  }
0xa3: {  	[sflag:s23] =	ssyncset.done $0x0  }
0xa4: {  	s25 =	simm.s32 $0x1B8E;
	s24 =	sld [smem:$0x3FFE];
	[sflag:s23] =	ssyncadd.s32 $0xFFFFFFFF  }
0xa5: {  	s26 =	simm.s32 $execute0_lowered;
	[smem:$0x3FD2] =	sst s25  }
0xa6: {  	s5 =	sshll.u32 s26, $0x1;
	_ =	strace $0x80000046;
	[dreg:$0x1] =	wrdreg $0xFFFFFFFF  }
0xa7: {  	s28 =	simm.s32 $_size_execute0_lowered;
	s3 =	sadd.s32 s3, s5;
	[dreg:$0x0] =	wrdreg $0x0  }
0xa8: {  	s5 =	sshll.u32 s28, $0x1;
	[dreg:$0x2] =	wrdreg s3  }
0xa9: {  	[dreg:$0x3] =	wrdreg s5  }
0xaa: {  	[dreg:$0x4] =	wrdreg $0xC0  }
0xab: {  	_ =	task [dreg:s7], $0x5FFFF  }
0xac: {  	[dreg:$0x1] =	wrdreg $0xFFFFFFFF  }
0xad: {  	[dreg:$0x0] =	wrdreg $0x60  }
0xae: {  	[dreg:$0x2] =	wrdreg s24  }
0xaf: {  	[dreg:$0x3] =	wrdreg s2  }
0xb0: {  	[dreg:$0x4] =	wrdreg $0x0  }
0xb1: {  	[dreg:$0x5] =	wrdreg $0x9  }
0xb2: {  	_ =	task.clear_ibuf [dreg:s7], $0x6FFFF;
	_ =	strace $0x90000046  }
0xb3: {  	s29 =	simm.s32 $0x9;
	_ =	strace $0x80000048  }
0xb4: {  	_ =	swait.ge [sflag:s29], $0x1  }
0xb5: {  	[sflag:s29] =	ssyncadd.s32 $0xFFFFFFFF  }
0xb6: {  	_ =	strace $0x90000048  }
0xb7: {  	_ =	sfence  }
0xb8: {  	s30 =	sld [smem:$0x0];
	_ =	sdelay $0x2  }
0xb9: {  	s31 =	sshll.u32 s1, $0xD;
	s1 =	sshrl.u32 s1, $0x2  }
0xba: {  	s3 =	sand.u32 $0x4000, s31;
	s1 =	sadd.s32 s1, s30  }
0xbb: {  	s0 =	sor.u32 s3, s0;
	s1 =	sshll.u32 s1, $0x11  }
0xbc: {  	s0 =	sor.u32 s1, s0  }
0xbd: {  	s0 =	sadd.s32 $0x8F2B, s0  }
0xbe: {  	[sflag:s0] =	ssyncadd.remote.s32 $0x1  }
0xbf: {  	_ =	sfence.sel $0xFFFF  }
0xc0: {  	[dreg:$0x0] =	wrdreg $0xFFFFFFFF;
	(pc) =	sbr.abs _section_cstart, $3  }
0xc1: {  	[dreg:$0x1] =	wrdreg $0xFFFFFFFF  }
0xc2: {  	_ =	task.clear_ibuf [dreg:s7], $0x2FFFF;
	_ =	strace $0x9FFFFFFF  }
0xc3: {  	(tm) =	ssettm $0x7FFFFFFF  }
tec
execute0_lowered:
.L_overlay_start_1:
0x0: {  	(tag) =	ssettag $0x1  }
0x1: {  	s7 =	rddreg [dreg:$0x0]  }
0x2: {  	s2 =	rddreg [dreg:$0x1]  }
0x3: {  	s3 =	rddreg [dreg:$0x2]  }
0x4: {  	s0 =	rddreg [dreg:$0x3];
	s1 =	stileid.u32  }
0x5: {  	s5 =	srdreg.scid;
	s4 =	simm.s32 $0x0;
	s13 =	simm.s32 $0x80  }
0x6: {  	s14 =	simm.s32 $0x1;
	s15 =	simm.s32 $0x0;
	s6 =	smul.u32 $0x2800, s1  }
0x7: {  	s5 =	sand.u32 $0x1, s5;
	[smem:$0x7FF] =	sst s4;
	s10 =	sshll.u32 s1, $0x1  }
0x8: {  	s31 =	sshll.u32 s1, $0x6;
	s8 =	smul.u32 $0x28000, s5;
	_ =	strace $0x80000047  }
0x9: {  	s11 =	ssub.s32 $0x2, s5;
	s5 =	sor.u32 s5, s10;
	s9 =	sshrl.u32 s6, $0x3  }
0xa: {  	s29 =	sshrl.u32 s11, $0x1;
	s5 =	smul.u32 $0x2800, s5;
	s30 =	sadd.s32 s6, s3  }
0xb: {  	s8 =	sadd.s32 s6, s8;
	s9 =	sadd.s32 s9, s7;
	s10 =	ssub.s32 s11, s29  }
0xc: {  	s6 =	sor.u32 $0x1C02, s31;
	s11 =	simm.s32 $0x2;
	s8 =	sshrl.u32 s8, $0x3  }
0xd: {  	s12 =	sshrl.u32 s5, $0x3;
	s5 =	sadd.s32 $0x16E00, s9;
	s9 =	smax.u32 s10, $0x1  }
0xe: {  	s10 =	sshrl.u32 s30, $0x3;
	s8 =	sadd.s32 s8, s7;
	s7 =	sadd.s32 s7, s12  }
0xf: {  	s12 =	simm.s32 $0x5000;
	s7 =	sadd.s32 $0xCE00, s7;
	s8 =	sadd.s32 $0x1BE00, s8  }
.LBB2_1:
0x10: {  	[spmem:s10], [sflag:s6] =	dma.local [hbm:s5], $0x500  }
0x11: {  	_ =	swait.ge [sflag:s11], $0x500  }
0x12: {  	[sflag:s11] =	ssyncset.done $0x0  }
0x13: {  	s16 =	simm.s32 $0x2800;
	[sflag:s11] =	ssyncadd.s32 $0xFFFFFB00  }
0x14: {  	[tilespmem:s16], [sflag:$0x2] =	stream.linear.gather [hbm4b:s7+s4], $0x2800, $0x38;
	[tilespmem:$0x5800] =	vst v63  }
0x15: {  	_ =	swait.ge [sflag:s11], $0x2800  }
0x16: {  	[sflag:s11] =	ssyncset.done $0x0  }
0x17: {  	[sflag:s11] =	ssyncadd.s32 $0xFFFFD800  }
0x18: {  	[tilespmem:s12], [sflag:$0x2] =	stream.linear.gather [hbm4b:s2+s4], $0x800, $0x38;
	[tilespmem:$0x5800] =	vst v63  }
0x19: {  	_ =	swait.ge [sflag:s11], $0x800  }
0x1a: {  	[sflag:s11] =	ssyncset.done $0x0  }
0x1b: {  	p0 =	por $0x1, $0x1;
	[sflag:s11] =	ssyncadd.s32 $0xFFFFF800  }
0x1c: {  	s18 =	simm.s32 @!p0 $0x1;
	[bflag:$0x0] =	sbarrier.arrive $0xFFFF  }
0x1d: {  	[spmem:s3] =	stream.indirect.scatter.add.f32 [tilespmem:s12], [sflag:$0x1], $0x10, s16, s13, $0xb8;
	[tilespmem:$0x5800] =	vst v63  }
0x1e: {  	_ =	swait.ge @!p0 [sflag:s18], $0x800  }
0x1f: {  	s17 =	simm.s32 $0x1;
	[sflag:s18] =	ssyncset.done @!p0 $0x0  }
.LBB2_2:
0x20: {  	[sflag:s18] =	ssyncadd.s32 @!p0 $0xFFFFF800  }
0x21: {  	s16 =	sadd.s32 $0x80, s16;
	s18 =	smov.u32 s17;
	s17 =	sadd.s32 $0x1, s17  }
0x22: {  	p1 =	sne.s32 s17, $0x50  }
0x23: {  	[spmem:s3] =	stream.indirect.scatter.add.f32 [tilespmem:s12], [sflag:$0x1], $0x10, s16, s13, $0xb8;
	[tilespmem:$0x5800] =	vst v63  }
.Ltmp0:
0x24: {  	_ = 	snop;
	(pc) =	sbr.rel @p1 .LBB2_2-.Ltmp0, $4  }
0x25: {  	p0 =	slt.u32 s18, $0x8  }
0x26: {  	s18 =	simm.s32 @!p0 $0x1  }
0x27: {  	_ =	swait.ge @!p0 [sflag:s18], $0x800  }
0x28: {  	[sflag:s18] =	ssyncset.done @!p0 $0x0  }
0x29: {  	[sflag:s18] =	ssyncadd.s32 @!p0 $0xFFFFF800  }
0x2a: {  	_ =	swait.ge [sflag:s14], $0x800  }
0x2b: {  	[sflag:s14] =	ssyncset.done $0x0  }
0x2c: {  	[sflag:s14] =	ssyncadd.s32 $0xFFFFF800  }
0x2d: {  	_ =	swait.ge [sflag:s14], $0x800  }
0x2e: {  	[sflag:s14] =	ssyncset.done $0x0  }
0x2f: {  	[sflag:s14] =	ssyncadd.s32 $0xFFFFF800  }
0x30: {  	_ =	swait.ge [sflag:s14], $0x800  }
0x31: {  	[sflag:s14] =	ssyncset.done $0x0  }
0x32: {  	[sflag:s14] =	ssyncadd.s32 $0xFFFFF800  }
0x33: {  	_ =	swait.ge [sflag:s14], $0x800  }
0x34: {  	[sflag:s14] =	ssyncset.done $0x0  }
0x35: {  	[sflag:s14] =	ssyncadd.s32 $0xFFFFF800  }
0x36: {  	_ =	swait.ge [sflag:s14], $0x800  }
0x37: {  	[sflag:s14] =	ssyncset.done $0x0  }
0x38: {  	[sflag:s14] =	ssyncadd.s32 $0xFFFFF800  }
0x39: {  	_ =	swait.ge [sflag:s14], $0x800  }
0x3a: {  	[sflag:s14] =	ssyncset.done $0x0  }
0x3b: {  	[sflag:s14] =	ssyncadd.s32 $0xFFFFF800  }
0x3c: {  	_ =	swait.ge [sflag:s14], $0x800  }
0x3d: {  	[sflag:s14] =	ssyncset.done $0x0  }
0x3e: {  	[sflag:s14] =	ssyncadd.s32 $0xFFFFF800  }
0x3f: {  	_ =	swait.ge [sflag:s14], $0x800  }
0x40: {  	s15 =	sadd.s32 $0x1, s15;
	[sflag:s14] =	ssyncset.done $0x0  }
0x41: {  	p0 =	sne.s32 s15, s9;
	[sflag:s14] =	ssyncadd.s32 $0xFFFFF800  }
.Ltmp1:
0x42: {  	[bflag:$0x0] =	sbarrier.arrive $0xFFFF;
	(pc) =	sbr.rel @p0 .LBB2_1-.Ltmp1, $4  }
0x43: {  	[hbm:s8], [sflag:s6] =	dma.local [spmem:s10], $0x500  }
0x44: {  	_ =	swait.ge [sflag:s11], $0x500  }
0x45: {  	[sflag:s11] =	ssyncset.done $0x0  }
0x46: {  	[sflag:s11] =	ssyncadd.s32 $0xFFFFFB00  }
0x47: {  	_ =	sfence.sel $0x180000  }
0x48: {  	[bflag:$0x0] =	sbarrier.arrive $0xFFFF  }
0x49: {  	p0 =	sne.s32 s1, $0x0;
	_ =	strace $0x90000047  }
0x4a: {  	s0 =	sadd.s32 @!p0 $0x100000, s0;
	[bflag:$0x2] =	sbarrier.arrive $0xFFFF  }
0x4b: {  	[sflag:s0] =	ssyncadd.tile.s32 @!p0 $0x1;
	_ =	shalt  }
.Lfunc_end2:
_tile_overlayer_lowered:
.L_overlay_start_2:
0x4c: {  	(tag) =	ssettag $0x2  }
0x4d: {  	s0 =	rddreg [dreg:$0x0];
	s2 =	stileid.u32  }
0x4e: {  	s1 =	rddreg [dreg:$0x1];
	p0 =	sne.s32 s2, $0x0  }
0x4f: {  	s3 =	rddreg [dreg:$0x2];
	[bflag:$0x3] =	sbarrier.arrive $0xFFFF;
	s2 =	simm.s32 @!p0 $0x1C02  }
0x50: {  	[timem:s3], [sflag:s2] =	dma.local @!p0 [hbm:s0], s1  }
0x51: {  	s0 =	simm.s32 @!p0 $0x2  }
0x52: {  	_ =	swait.ge @!p0 [sflag:s0], s1  }
0x53: {  	s1 =	ssub.s32 @!p0 $0x0, s1;
	[sflag:s0] =	ssyncset.done @!p0 $0x0  }
0x54: {  	[sflag:s0] =	ssyncadd.s32 @!p0 s1  }
0x55: {  	[bflag:$0x3] =	sbarrier.arrive $0xFFFF  }
0x56: {  	_ =	shalt  }

</sc_bundles>
